<compile_context>
chip_gen: v7x
topology: tpu7x:2x2x1
jax: 0.10.2.dev20260603
libtpu: 0.0.44.dev20260713+nightly
codegen_flags: <defaults>
</compile_context>

<pallas_src>
import functools

import jax
import jax.numpy as jnp
from jax import lax
from jax.experimental import pallas as pl
from jax.experimental.pallas import tpu as pltpu
from jax.experimental.pallas import tpu_sc as plsc

_NC = 2
_NS = 16
_NW = _NC * _NS


_E_CHUNKS = 8


def _sc_gather(sym_emb_pad, syms_flat, syms_pad_f32, similar_idx, drugs_pad):
    BL = syms_flat.shape[0]
    B = similar_idx.shape[0]
    V, DP = sym_emb_pad.shape
    SP = syms_pad_f32.shape[1]
    ND = drugs_pad.shape[1]
    e_per = BL // _NW
    e_chunk = e_per // _E_CHUNKS
    b_per = B // _NW
    mesh = plsc.VectorSubcoreMesh(core_axis_name="c", subcore_axis_name="s")

    @functools.partial(
        pl.kernel,
        out_type=(
            jax.ShapeDtypeStruct((BL, DP), jnp.float32),
            jax.ShapeDtypeStruct((B, SP), jnp.float32),
            jax.ShapeDtypeStruct((B, ND), jnp.float32),
        ),
        mesh=mesh,
        scratch_types=[
            pltpu.VMEM((e_per,), jnp.int32),
            pltpu.VMEM((e_chunk, DP), jnp.float32),
            pltpu.VMEM((e_chunk, DP), jnp.float32),
            pltpu.VMEM((b_per,), jnp.int32),
            pltpu.VMEM((b_per, SP), jnp.float32),
            pltpu.VMEM((b_per, ND), jnp.float32),
            pltpu.SemaphoreType.DMA,
            pltpu.SemaphoreType.DMA,
            pltpu.SemaphoreType.DMA,
            pltpu.SemaphoreType.DMA,
            pltpu.VMEM_SHARED((V, DP), jnp.float32),
        ],
    )
    def gather_kernel(emb_hbm, sflat_hbm, spad_hbm, sim_hbm, drugs_hbm,
                      e_out, ssel_out, dsel_out,
                      idx_e, buf_e0, buf_e1, idx_b, buf_s, buf_d,
                      gsem, wsem, sem2, sem3, shared_tab):
        wid = lax.axis_index("s") * _NC + lax.axis_index("c")
        sid = lax.axis_index("s")
        eb = wid * e_per
        bb = wid * b_per
        bufs = (buf_e0, buf_e1)
        v_str = V // _NS
        pltpu.sync_copy(emb_hbm.at[pl.ds(sid * v_str, v_str)],
                        shared_tab.at[pl.ds(sid * v_str, v_str)])
        pltpu.sync_copy(sflat_hbm.at[pl.ds(eb, e_per)], idx_e)
        pltpu.sync_copy(sim_hbm.at[pl.ds(bb, b_per)], idx_b)
        c2 = pltpu.async_copy(spad_hbm.at[idx_b], buf_s, sem2)
        c3 = pltpu.async_copy(drugs_hbm.at[idx_b], buf_d, sem3)
        plsc.subcore_barrier()

        def g_start(t):
            return pltpu.async_copy(
                shared_tab.at[idx_e.at[pl.ds(t * e_chunk, e_chunk)]],
                bufs[t % 2], gsem)

        g = {0: g_start(0)}
        w = {}
        for t in range(_E_CHUNKS):
            if t + 1 < _E_CHUNKS:
                if t - 1 >= 0:
                    w[t - 1].wait()
                g[t + 1] = g_start(t + 1)
            g[t].wait()
            w[t] = pltpu.async_copy(
                bufs[t % 2], e_out.at[pl.ds(eb + t * e_chunk, e_chunk)], wsem)
        w[_E_CHUNKS - 2].wait()
        w[_E_CHUNKS - 1].wait()
        c2.wait()
        c3.wait()
        pltpu.sync_copy(buf_s, ssel_out.at[pl.ds(bb, b_per)])
        pltpu.sync_copy(buf_d, dsel_out.at[pl.ds(bb, b_per)])

    return gather_kernel(sym_emb_pad, syms_flat, syms_pad_f32, similar_idx,
                         drugs_pad)


def _sigmoid(x):
    return 1.0 / (1.0 + jnp.exp(-x))


def _tc_body(e_ref, syms_ref, ssel_ref, drugs_ref, dsel_ref,
             demb_ref, dembt_ref, ddi_ref, cw_ref,
             scores_ref, acc_ref, *, lv):
    bB, L, _ = e_ref.shape
    D = demb_ref.shape[1]

    valid = lax.broadcasted_iota(jnp.int32, (1, L, 1), 1) < lv
    u = jnp.where(valid, e_ref[...], 0.0)

    acc1 = jnp.sum(u, axis=1)
    s_set = acc1[:, :D] / acc1[:, D:D + 1]

    scores = lax.dot(s_set, dembt_ref[...])
    scores_ref[...] = scores

    P = _sigmoid(scores)
    ddi_part = jnp.sum(lax.dot(P, ddi_ref[...]) * P)

    s = syms_ref[...]
    ss = ssel_ref[...][:, :L]
    rhs = jnp.concatenate([ss, s], axis=1)
    eq = s[:, :, None] == rhs[:, None, :]
    cscore = jnp.sum(jnp.where(eq, cw_ref[...][None], 0.0), axis=2)
    c3 = (cscore > 0.0)[:, :, None]

    acc2 = jnp.sum(jnp.where(c3, u, 0.0), axis=1)
    z2 = acc2[:, D:D + 1]
    cset = acc2[:, :D] / jnp.where(z2 == 0.0, 1.0, z2)

    logits = lax.dot(cset, dembt_ref[...])
    drugs = drugs_ref[...]
    dsel = dsel_ref[...][:, :drugs.shape[1]]
    tgt = drugs * dsel
    loss = (jnp.maximum(logits, 0.0) - logits * tgt
            + jnp.log(1.0 + jnp.exp(-jnp.abs(logits))))
    bce_part = jnp.sum(loss)

    diff = drugs - dsel
    pos = jnp.maximum(diff, 0.0)
    neg = jnp.where(diff == -1.0, 1.0, 0.0)
    dd = jnp.sum(pos, axis=1, keepdims=True)
    dd2 = jnp.sum(neg, axis=1, keepdims=True)
    dd = jnp.where(dd == 0.0, 1.0, dd)
    dd2 = jnp.where(dd2 == 0.0, 1.0, dd2)
    de = lax.dot(pos, demb_ref[...]) / dd
    d2e = lax.dot(neg, demb_ref[...]) / dd2
    diff_part = jnp.sum(_sigmoid(cset * de) * _sigmoid(cset * d2e))

    lane1 = lax.broadcasted_iota(jnp.int32, (1, 128), 1)
    row = (jnp.where(lane1 == 0, bce_part, 0.0)
           + jnp.where(lane1 == 1, ddi_part, 0.0)
           + jnp.where(lane1 == 2, diff_part, 0.0))

    @pl.when(pl.program_id(0) == 0)
    def _():
        acc_ref[...] = jnp.zeros_like(acc_ref)

    acc_ref[...] += row


def _tc_compute(E3, syms_p, ssel, drugs, dsel_pad, demb, dembt,
                ddi, lv, *, interpret=False):
    B, L, DPE = E3.shape
    ND, D = demb.shape
    NDS = dsel_pad.shape[1]
    bB = 256
    grid = (B // bB,)

    ii = jnp.arange(L, dtype=jnp.int32)[:, None]
    jj = jnp.arange(2 * L, dtype=jnp.int32)[None, :]
    cw = jnp.where(jj < L, 1.0,
                   jnp.where((jj - L) < ii, -65536.0, 0.0)
                   ).astype(jnp.float32)

    return pl.pallas_call(
        functools.partial(_tc_body, lv=lv),
        grid=grid,
        in_specs=[
            pl.BlockSpec((bB, L, DPE), lambda i: (i, 0, 0)),
            pl.BlockSpec((bB, L), lambda i: (i, 0)),
            pl.BlockSpec((bB, ssel.shape[1]), lambda i: (i, 0)),
            pl.BlockSpec((bB, ND), lambda i: (i, 0)),
            pl.BlockSpec((bB, NDS), lambda i: (i, 0)),
            pl.BlockSpec((ND, D), lambda i: (0, 0)),
            pl.BlockSpec((D, ND), lambda i: (0, 0)),
            pl.BlockSpec((ND, ND), lambda i: (0, 0)),
            pl.BlockSpec((L, 2 * L), lambda i: (0, 0)),
        ],
        out_specs=[
            pl.BlockSpec((bB, ND), lambda i: (i, 0)),
            pl.BlockSpec((1, 128), lambda i: (0, 0)),
        ],
        out_shape=[
            jax.ShapeDtypeStruct((B, ND), jnp.float32),
            jax.ShapeDtypeStruct((1, 128), jnp.float32),
        ],
        interpret=interpret,
    )(E3, syms_p, ssel, drugs, dsel_pad, demb, dembt, ddi, cw)


def kernel(syms, drugs, similar_idx, sym_emb, drug_emb, agg_w, agg_b, ddi):
    B, L = syms.shape
    N_DRUG = drugs.shape[1]
    D = sym_emb.shape[1]
    NDP = 512
    SP = 128
    DP = 128
    LP = 56
    PAD_SYM = 2047
    NSYM_PAD = 2048

    syms = syms.astype(jnp.int32)
    similar_idx = similar_idx.astype(jnp.int32)

    n_sym = sym_emb.shape[0]
    q_tab = jnp.exp(jnp.tanh(sym_emb @ agg_w[:, 0] + agg_b[0]))
    rows = jnp.concatenate(
        [sym_emb * q_tab[:, None], q_tab[:, None],
         jnp.zeros((n_sym, DP - D - 1), jnp.float32)], axis=1)
    sym_emb_pad = jnp.pad(rows, ((0, NSYM_PAD - n_sym), (0, 0)))
    pad_fill = (jnp.arange(B * (LP - L), dtype=jnp.int32) % n_sym
                ).reshape(B, LP - L)
    syms_p = jnp.concatenate([syms, pad_fill], axis=1)
    syms_tab = jnp.concatenate(
        [syms, jnp.full((B, SP - L), PAD_SYM, jnp.int32)], axis=1)
    syms_tab_f32 = lax.bitcast_convert_type(syms_tab, jnp.float32)
    drugs_pad = jnp.pad(drugs, ((0, 0), (0, NDP - N_DRUG)))
    dembt = drug_emb.T
    syms_flat = syms_p.reshape(-1)

    e_flat, ssel_f32, dsel_pad = _sc_gather(
        sym_emb_pad, syms_flat, syms_tab_f32, similar_idx, drugs_pad)
    ssel = lax.bitcast_convert_type(ssel_f32, jnp.int32)
    E3 = e_flat.reshape(B, LP, DP)

    scores, acc = _tc_compute(
        E3, syms_p, ssel, drugs, dsel_pad, drug_emb, dembt, ddi, L)

    scores_aug = acc[0, 0] / jnp.float32(B * N_DRUG)
    batch_neg = acc[0, 1] * jnp.float32(1e-05) + acc[0, 2] * jnp.float32(1e-04)
    return scores, scores_aug, batch_neg

# --- scband reference (transcript-rebuilt; emitter-appended) ---
"""Pipeline reference for scband-model-26568667693637 (READ-ONLY COPY).

The authoritative reference and input builder live on the scoring server;
editing this copy changes nothing except your own understanding.
"""

import jax, jax.numpy as jnp
import numpy as np

N_SYM = 2000
N_DRUG = 500
EMBED_DIM = 64
BATCH = 1024
SYM_SET = 50


def setup_inputs(seed: int = 0) -> dict:
    key = jax.random.key(seed)
    ks = jax.random.split(key, 8)
    stdv = 1.0 / np.sqrt(EMBED_DIM)
    syms = jax.random.randint(ks[0], (BATCH, SYM_SET), 0, N_SYM, dtype=jnp.int64 if jax.config.jax_enable_x64 else jnp.int32)
    drugs = (jax.random.uniform(ks[1], (BATCH, N_DRUG)) > 0.9).astype(jnp.float32)
    similar_idx = jax.random.randint(ks[2], (BATCH,), 0, BATCH)
    sym_emb = jax.random.uniform(ks[3], (N_SYM, EMBED_DIM), minval=-stdv, maxval=stdv)
    drug_emb = jax.random.uniform(ks[4], (N_DRUG, EMBED_DIM), minval=-stdv, maxval=stdv)
    agg_w = jax.random.uniform(ks[5], (EMBED_DIM, 1), minval=-stdv, maxval=stdv)
    agg_b = jax.random.uniform(ks[6], (1,), minval=-stdv, maxval=stdv)
    ddi = (jax.random.uniform(ks[7], (N_DRUG, N_DRUG)) > 0.95).astype(jnp.float32)
    return {"syms": syms, "drugs": drugs, "similar_idx": similar_idx,
            "sym_emb": sym_emb, "drug_emb": drug_emb,
            "agg_w": agg_w, "agg_b": agg_b, "ddi": ddi}


def _attention(x, agg_w, agg_b, mask=None):
    # x: [..., L, D]; aggregation linear -> tanh
    w = jnp.tanh(x @ agg_w + agg_b)  # [..., L, 1]
    if mask is None:
        weight = jax.nn.softmax(w, axis=-2)
    else:
        m = jnp.where(mask == 0, -10000000.0, 0.0)
        weight = jax.nn.softmax(w.squeeze(-1) + m, axis=-1)[..., None]
        weight = jnp.where(jnp.isnan(weight), 0.0, weight)
    out = jnp.matmul(jnp.swapaxes(x, -1, -2), weight).squeeze(-1)  # [..., D]
    return out


def _bce_with_logits(logits, targets):
    maxv = jnp.clip(logits, 0, None)
    loss = maxv - logits * targets + jnp.log1p(jnp.exp(-jnp.abs(logits)))
    return jnp.mean(loss)


def reference(syms, drugs, similar_idx, sym_emb, drug_emb, agg_w, agg_b, ddi):
    B = syms.shape[0]
    sym_embeds = jnp.take(sym_emb, syms, axis=0)  # [B, L, D]
    all_drug_embeds = drug_emb  # [n_drug, D]
    s_set_embeds = _attention(sym_embeds, agg_w, agg_b)  # [B, D]
    all_drug_embeds_b = jnp.broadcast_to(all_drug_embeds[None], (B,) + all_drug_embeds.shape)
    scores = jnp.einsum('bd,bnd->bn', s_set_embeds, all_drug_embeds_b)  # [B, n_drug]

    neg_pred_prob = jax.nn.sigmoid(scores)
    npp = neg_pred_prob.T @ neg_pred_prob  # [n_drug, n_drug]
    batch_neg = 1e-05 * jnp.sum(npp * ddi)

    # intraset_augmentation
    n_sym = sym_emb.shape[0]
    D = sym_emb.shape[1]
    selected_drugs = drugs[similar_idx]
    sym_multihot = jnp.zeros((B, n_sym)).at[jnp.arange(B)[:, None], syms].set(1.0)
    sel_multihot = jnp.zeros((B, n_sym)).at[jnp.arange(B)[:, None], syms[similar_idx]].set(1.0)
    common_sym = sym_multihot * sel_multihot  # [B, n_sym]
    common_sym_embeds = common_sym[..., None] * sym_emb[None]  # [B, n_sym, D]
    common_set_embeds = _attention(common_sym_embeds, agg_w, agg_b, mask=common_sym)  # [B, D]
    common_drug = drugs * selected_drugs
    scores_aug_logits = jnp.einsum('bd,bnd->bn', common_set_embeds, all_drug_embeds_b)
    scores_aug = _bce_with_logits(scores_aug_logits, common_drug)

    # intersect_ddi
    diff_drug = drugs - selected_drugs
    diff_drug_2 = jnp.where(diff_drug == -1, 1.0, 0.0)
    diff_drug_pos = jnp.where(diff_drug == -1, 0.0, diff_drug)
    dd_sum = jnp.sum(diff_drug_pos, -1, keepdims=True)
    dd2_sum = jnp.sum(diff_drug_2, -1, keepdims=True)
    dd_sum = jnp.where(dd_sum == 0, 1.0, dd_sum)
    dd2_sum = jnp.where(dd2_sum == 0, 1.0, dd2_sum)
    diff_drug_embed = jnp.einsum('bn,bnd->bd', diff_drug_pos, all_drug_embeds_b) / dd_sum
    diff2_embed = jnp.einsum('bn,bnd->bd', diff_drug_2, all_drug_embeds_b) / dd2_sum
    diff_score = jax.nn.sigmoid(common_set_embeds * diff_drug_embed)
    diff2_score = jax.nn.sigmoid(common_set_embeds * diff2_embed)
    batch_neg = batch_neg + 0.0001 * jnp.sum(diff2_score * diff_score)

    return scores, scores_aug, batch_neg

if __name__ == "__main__":
    import jax
    _d = setup_inputs()
    print(jax.jit(kernel)(*tuple(_d.values())))

</pallas_src>

<mosaic_0001>
#map = affine_map<(d0, d1) -> (0, 0)>
#map1 = affine_map<(d0, d1) -> (0)>
module attributes {stable_mosaic.version = 14 : i64} {
  func.func @gather_kernel(%arg0: i32, %arg1: i32, %arg2: memref<2048x128xf32, #tpu.memory_space<hbm>>, %arg3: memref<57344xi32, #tpu.memory_space<hbm>>, %arg4: memref<1024x128xf32, #tpu.memory_space<hbm>>, %arg5: memref<1024xi32, #tpu.memory_space<hbm>>, %arg6: memref<1024x512xf32, #tpu.memory_space<hbm>>, %arg7: memref<57344x128xf32, #tpu.memory_space<hbm>>, %arg8: memref<1024x128xf32, #tpu.memory_space<hbm>>, %arg9: memref<1024x512xf32, #tpu.memory_space<hbm>>, %arg10: memref<1792xi32, #tpu.memory_space<vmem>>, %arg11: memref<224x128xf32, #tpu.memory_space<vmem>>, %arg12: memref<224x128xf32, #tpu.memory_space<vmem>>, %arg13: memref<32xi32, #tpu.memory_space<vmem>>, %arg14: memref<32x128xf32, #tpu.memory_space<vmem>>, %arg15: memref<32x512xf32, #tpu.memory_space<vmem>>, %arg16: memref<!tpu.dma_semaphore, #tpu.memory_space<semaphore_mem>>, %arg17: memref<!tpu.dma_semaphore, #tpu.memory_space<semaphore_mem>>, %arg18: memref<!tpu.dma_semaphore, #tpu.memory_space<semaphore_mem>>, %arg19: memref<!tpu.dma_semaphore, #tpu.memory_space<semaphore_mem>>, %arg20: memref<2048x128xf32, #tpu.memory_space<vmem_shared>>) attributes {dimension_semantics = [#tpu.dimension_semantics<core_parallel>, #tpu.dimension_semantics<subcore_parallel>], iteration_bounds = array<i64: 2, 16>, scalar_prefetch = 0 : i64, scratch_operands = 11 : i64, tpu.core_type = #tpu.core_type<sc_vector_subcore>, window_params = [{transform_indices = #map}, {transform_indices = #map1}, {transform_indices = #map}, {transform_indices = #map1}, {transform_indices = #map}, {transform_indices = #map}, {transform_indices = #map}, {transform_indices = #map}]} {
    %mul3A = arith.constant 2 : i32
    %mul3A_0 = arith.muli %arg1, %mul3A : i32
    %add3A = arith.addi %mul3A_0, %arg0 : i32
    %mul3A_1 = arith.constant 1792 : i32
    %mul3A_2 = arith.muli %add3A, %mul3A_1 : i32
    %mul3A_3 = arith.constant 32 : i32
    %mul3A_4 = arith.muli %add3A, %mul3A_3 : i32
    %mul3A_5 = arith.constant 128 : i32
    %mul3A_6 = arith.muli %arg1, %mul3A_5 : i32
    %mul3A_7 = arith.constant 128 : i32
    %mul3A_8 = arith.muli %arg1, %mul3A_7 : i32
    "tpu.region"() ({
      %run_scoped3A = tpu.sem_alloc : memref<!tpu.dma_semaphore, #tpu.memory_space<semaphore_mem>>
      %dma_start3A_179 = arith.constant 0 : i32
      %dma_start3A_180 = tpu.memref_slice %arg20[%mul3A_8, %dma_start3A_179] : memref<2048x128xf32, #tpu.memory_space<vmem_shared>> -> memref<128x128xf32, #tpu.memory_space<vmem_shared>>
      %dma_start3A_181 = arith.constant 0 : i32
      %dma_start3A_182 = tpu.memref_slice %arg2[%mul3A_6, %dma_start3A_181] : memref<2048x128xf32, #tpu.memory_space<hbm>> -> memref<128x128xf32, #tpu.memory_space<hbm>>
      tpu.enqueue_dma source(%dma_start3A_182 : memref<128x128xf32, #tpu.memory_space<hbm>>) target(%dma_start3A_180 : memref<128x128xf32, #tpu.memory_space<vmem_shared>>) target_semaphore(%run_scoped3A : memref<!tpu.dma_semaphore, #tpu.memory_space<semaphore_mem>>)
      %dma_wait3A_183 = arith.constant 0 : i32
      %dma_wait3A_184 = tpu.memref_slice %arg20[%mul3A_8, %dma_wait3A_183] : memref<2048x128xf32, #tpu.memory_space<vmem_shared>> -> memref<128x128xf32, #tpu.memory_space<vmem_shared>>
      %dma_wait3A_185 = arith.constant 0 : i32
      %dma_wait3A_186 = tpu.memref_slice %arg2[%mul3A_6, %dma_wait3A_185] : memref<2048x128xf32, #tpu.memory_space<hbm>> -> memref<128x128xf32, #tpu.memory_space<hbm>>
      tpu.wait_dma2 semaphore(%run_scoped3A : memref<!tpu.dma_semaphore, #tpu.memory_space<semaphore_mem>>) src(%dma_wait3A_186 : memref<128x128xf32, #tpu.memory_space<hbm>>) dst(%dma_wait3A_184 : memref<128x128xf32, #tpu.memory_space<vmem_shared>>)
      tpu.yield
    }) : () -> ()
    "tpu.region"() ({
      %run_scoped3A = tpu.sem_alloc : memref<!tpu.dma_semaphore, #tpu.memory_space<semaphore_mem>>
      %dma_start3A_179 = tpu.memref_slice %arg3[%mul3A_2] : memref<57344xi32, #tpu.memory_space<hbm>> -> memref<1792xi32, #tpu.memory_space<hbm>>
      %dma_start3A_180 = tpu.memref_slice %arg3[%mul3A_2] : memref<57344xi32, #tpu.memory_space<hbm>> -> memref<1792xi32, #tpu.memory_space<hbm>>
      tpu.enqueue_dma source(%dma_start3A_180 : memref<1792xi32, #tpu.memory_space<hbm>>) target(%arg10 : memref<1792xi32, #tpu.memory_space<vmem>>) target_semaphore(%run_scoped3A : memref<!tpu.dma_semaphore, #tpu.memory_space<semaphore_mem>>)
      %dma_wait3A_181 = tpu.memref_slice %arg3[%mul3A_2] : memref<57344xi32, #tpu.memory_space<hbm>> -> memref<1792xi32, #tpu.memory_space<hbm>>
      %dma_wait3A_182 = tpu.memref_slice %arg3[%mul3A_2] : memref<57344xi32, #tpu.memory_space<hbm>> -> memref<1792xi32, #tpu.memory_space<hbm>>
      tpu.wait_dma2 semaphore(%run_scoped3A : memref<!tpu.dma_semaphore, #tpu.memory_space<semaphore_mem>>) src(%dma_wait3A_182 : memref<1792xi32, #tpu.memory_space<hbm>>) dst(%arg10 : memref<1792xi32, #tpu.memory_space<vmem>>)
      tpu.yield
    }) : () -> ()
    "tpu.region"() ({
      %run_scoped3A = tpu.sem_alloc : memref<!tpu.dma_semaphore, #tpu.memory_space<semaphore_mem>>
      %dma_start3A_179 = tpu.memref_slice %arg5[%mul3A_4] : memref<1024xi32, #tpu.memory_space<hbm>> -> memref<32xi32, #tpu.memory_space<hbm>>
      %dma_start3A_180 = tpu.memref_slice %arg5[%mul3A_4] : memref<1024xi32, #tpu.memory_space<hbm>> -> memref<32xi32, #tpu.memory_space<hbm>>
      tpu.enqueue_dma source(%dma_start3A_180 : memref<32xi32, #tpu.memory_space<hbm>>) target(%arg13 : memref<32xi32, #tpu.memory_space<vmem>>) target_semaphore(%run_scoped3A : memref<!tpu.dma_semaphore, #tpu.memory_space<semaphore_mem>>)
      %dma_wait3A_181 = tpu.memref_slice %arg5[%mul3A_4] : memref<1024xi32, #tpu.memory_space<hbm>> -> memref<32xi32, #tpu.memory_space<hbm>>
      %dma_wait3A_182 = tpu.memref_slice %arg5[%mul3A_4] : memref<1024xi32, #tpu.memory_space<hbm>> -> memref<32xi32, #tpu.memory_space<hbm>>
      tpu.wait_dma2 semaphore(%run_scoped3A : memref<!tpu.dma_semaphore, #tpu.memory_space<semaphore_mem>>) src(%dma_wait3A_182 : memref<32xi32, #tpu.memory_space<hbm>>) dst(%arg13 : memref<32xi32, #tpu.memory_space<vmem>>)
      tpu.yield
    }) : () -> ()
    %dma_start3A = arith.constant 0 : i32
    %dma_start3A_9 = arith.constant 0 : i32
    %dma_start3A_10 = tpu.memref_slice %arg4[%dma_start3A, %dma_start3A_9] : memref<1024x128xf32, #tpu.memory_space<hbm>> -> memref<1024x128xf32, #tpu.memory_space<hbm>>
    tpu.enqueue_indirect_dma source(%dma_start3A_10 : memref<1024x128xf32, #tpu.memory_space<hbm>>) target(%arg14 : memref<32x128xf32, #tpu.memory_space<vmem>>) offsets(%arg13 : memref<32xi32, #tpu.memory_space<vmem>>) semaphore(%arg18 : memref<!tpu.dma_semaphore, #tpu.memory_space<semaphore_mem>>)
    %dma_start3A_11 = arith.constant 0 : i32
    %dma_start3A_12 = arith.constant 0 : i32
    %dma_start3A_13 = tpu.memref_slice %arg6[%dma_start3A_11, %dma_start3A_12] : memref<1024x512xf32, #tpu.memory_space<hbm>> -> memref<1024x512xf32, #tpu.memory_space<hbm>>
    tpu.enqueue_indirect_dma source(%dma_start3A_13 : memref<1024x512xf32, #tpu.memory_space<hbm>>) target(%arg15 : memref<32x512xf32, #tpu.memory_space<vmem>>) offsets(%arg13 : memref<32xi32, #tpu.memory_space<vmem>>) semaphore(%arg19 : memref<!tpu.dma_semaphore, #tpu.memory_space<semaphore_mem>>)
    %barrier3A = arith.constant 0 : index
    tpu.barrier barrier_id(%barrier3A)
    %dma_start3A_14 = arith.constant 0 : i32
    %dma_start3A_15 = tpu.memref_slice %arg10[%dma_start3A_14] : memref<1792xi32, #tpu.memory_space<vmem>> -> memref<224xi32, #tpu.memory_space<vmem>>
    %dma_start3A_16 = arith.constant 0 : i32
    %dma_start3A_17 = arith.constant 0 : i32
    %dma_start3A_18 = tpu.memref_slice %arg20[%dma_start3A_16, %dma_start3A_17] : memref<2048x128xf32, #tpu.memory_space<vmem_shared>> -> memref<2048x128xf32, #tpu.memory_space<vmem_shared>>
    tpu.enqueue_indirect_dma source(%dma_start3A_18 : memref<2048x128xf32, #tpu.memory_space<vmem_shared>>) target(%arg11 : memref<224x128xf32, #tpu.memory_space<vmem>>) offsets(%dma_start3A_15 : memref<224xi32, #tpu.memory_space<vmem>>) semaphore(%arg16 : memref<!tpu.dma_semaphore, #tpu.memory_space<semaphore_mem>>)
    %dma_start3A_19 = arith.constant 224 : i32
    %dma_start3A_20 = tpu.memref_slice %arg10[%dma_start3A_19] : memref<1792xi32, #tpu.memory_space<vmem>> -> memref<224xi32, #tpu.memory_space<vmem>>
    %dma_start3A_21 = arith.constant 0 : i32
    %dma_start3A_22 = arith.constant 0 : i32
    %dma_start3A_23 = tpu.memref_slice %arg20[%dma_start3A_21, %dma_start3A_22] : memref<2048x128xf32, #tpu.memory_space<vmem_shared>> -> memref<2048x128xf32, #tpu.memory_space<vmem_shared>>
    tpu.enqueue_indirect_dma source(%dma_start3A_23 : memref<2048x128xf32, #tpu.memory_space<vmem_shared>>) target(%arg12 : memref<224x128xf32, #tpu.memory_space<vmem>>) offsets(%dma_start3A_20 : memref<224xi32, #tpu.memory_space<vmem>>) semaphore(%arg16 : memref<!tpu.dma_semaphore, #tpu.memory_space<semaphore_mem>>)
    %dma_wait3A = arith.constant 0 : i32
    %dma_wait3A_24 = tpu.memref_slice %arg10[%dma_wait3A] : memref<1792xi32, #tpu.memory_space<vmem>> -> memref<224xi32, #tpu.memory_space<vmem>>
    %dma_wait3A_25 = arith.constant 0 : i32
    %dma_wait3A_26 = arith.constant 0 : i32
    %dma_wait3A_27 = tpu.memref_slice %arg20[%dma_wait3A_25, %dma_wait3A_26] : memref<2048x128xf32, #tpu.memory_space<vmem_shared>> -> memref<2048x128xf32, #tpu.memory_space<vmem_shared>>
    tpu.wait_indirect_dma semaphore(%arg16 : memref<!tpu.dma_semaphore, #tpu.memory_space<semaphore_mem>>) src(%dma_wait3A_27 : memref<2048x128xf32, #tpu.memory_space<vmem_shared>>) dst(%arg11 : memref<224x128xf32, #tpu.memory_space<vmem>>)
    %add3A_28 = arith.constant 0 : i32
    %add3A_29 = arith.addi %mul3A_2, %add3A_28 : i32
    %dma_start3A_30 = arith.constant 0 : i32
    %dma_start3A_31 = tpu.memref_slice %arg7[%add3A_29, %dma_start3A_30] : memref<57344x128xf32, #tpu.memory_space<hbm>> -> memref<224x128xf32, #tpu.memory_space<hbm>>
    %dma_start3A_32 = arith.constant 0 : i32
    %dma_start3A_33 = tpu.memref_slice %arg7[%add3A_29, %dma_start3A_32] : memref<57344x128xf32, #tpu.memory_space<hbm>> -> memref<224x128xf32, #tpu.memory_space<hbm>>
    tpu.enqueue_dma source(%arg11 : memref<224x128xf32, #tpu.memory_space<vmem>>) target(%dma_start3A_33 : memref<224x128xf32, #tpu.memory_space<hbm>>) target_semaphore(%arg17 : memref<!tpu.dma_semaphore, #tpu.memory_space<semaphore_mem>>)
    %dma_wait3A_34 = arith.constant 0 : i32
    %dma_wait3A_35 = tpu.memref_slice %arg7[%add3A_29, %dma_wait3A_34] : memref<57344x128xf32, #tpu.memory_space<hbm>> -> memref<224x128xf32, #tpu.memory_space<hbm>>
    %dma_wait3A_36 = arith.constant 0 : i32
    %dma_wait3A_37 = tpu.memref_slice %arg7[%add3A_29, %dma_wait3A_36] : memref<57344x128xf32, #tpu.memory_space<hbm>> -> memref<224x128xf32, #tpu.memory_space<hbm>>
    tpu.wait_dma2 semaphore(%arg17 : memref<!tpu.dma_semaphore, #tpu.memory_space<semaphore_mem>>) src(%arg11 : memref<224x128xf32, #tpu.memory_space<vmem>>) dst(%dma_wait3A_37 : memref<224x128xf32, #tpu.memory_space<hbm>>)
    %dma_start3A_38 = arith.constant 448 : i32
    %dma_start3A_39 = tpu.memref_slice %arg10[%dma_start3A_38] : memref<1792xi32, #tpu.memory_space<vmem>> -> memref<224xi32, #tpu.memory_space<vmem>>
    %dma_start3A_40 = arith.constant 0 : i32
    %dma_start3A_41 = arith.constant 0 : i32
    %dma_start3A_42 = tpu.memref_slice %arg20[%dma_start3A_40, %dma_start3A_41] : memref<2048x128xf32, #tpu.memory_space<vmem_shared>> -> memref<2048x128xf32, #tpu.memory_space<vmem_shared>>
    tpu.enqueue_indirect_dma source(%dma_start3A_42 : memref<2048x128xf32, #tpu.memory_space<vmem_shared>>) target(%arg11 : memref<224x128xf32, #tpu.memory_space<vmem>>) offsets(%dma_start3A_39 : memref<224xi32, #tpu.memory_space<vmem>>) semaphore(%arg16 : memref<!tpu.dma_semaphore, #tpu.memory_space<semaphore_mem>>)
    %dma_wait3A_43 = arith.constant 224 : i32
    %dma_wait3A_44 = tpu.memref_slice %arg10[%dma_wait3A_43] : memref<1792xi32, #tpu.memory_space<vmem>> -> memref<224xi32, #tpu.memory_space<vmem>>
    %dma_wait3A_45 = arith.constant 0 : i32
    %dma_wait3A_46 = arith.constant 0 : i32
    %dma_wait3A_47 = tpu.memref_slice %arg20[%dma_wait3A_45, %dma_wait3A_46] : memref<2048x128xf32, #tpu.memory_space<vmem_shared>> -> memref<2048x128xf32, #tpu.memory_space<vmem_shared>>
    tpu.wait_indirect_dma semaphore(%arg16 : memref<!tpu.dma_semaphore, #tpu.memory_space<semaphore_mem>>) src(%dma_wait3A_47 : memref<2048x128xf32, #tpu.memory_space<vmem_shared>>) dst(%arg12 : memref<224x128xf32, #tpu.memory_space<vmem>>)
    %add3A_48 = arith.constant 224 : i32
    %add3A_49 = arith.addi %mul3A_2, %add3A_48 : i32
    %dma_start3A_50 = arith.constant 0 : i32
    %dma_start3A_51 = tpu.memref_slice %arg7[%add3A_49, %dma_start3A_50] : memref<57344x128xf32, #tpu.memory_space<hbm>> -> memref<224x128xf32, #tpu.memory_space<hbm>>
    %dma_start3A_52 = arith.constant 0 : i32
    %dma_start3A_53 = tpu.memref_slice %arg7[%add3A_49, %dma_start3A_52] : memref<57344x128xf32, #tpu.memory_space<hbm>> -> memref<224x128xf32, #tpu.memory_space<hbm>>
    tpu.enqueue_dma source(%arg12 : memref<224x128xf32, #tpu.memory_space<vmem>>) target(%dma_start3A_53 : memref<224x128xf32, #tpu.memory_space<hbm>>) target_semaphore(%arg17 : memref<!tpu.dma_semaphore, #tpu.memory_space<semaphore_mem>>)
    %dma_wait3A_54 = arith.constant 0 : i32
    %dma_wait3A_55 = tpu.memref_slice %arg7[%add3A_49, %dma_wait3A_54] : memref<57344x128xf32, #tpu.memory_space<hbm>> -> memref<224x128xf32, #tpu.memory_space<hbm>>
    %dma_wait3A_56 = arith.constant 0 : i32
    %dma_wait3A_57 = tpu.memref_slice %arg7[%add3A_49, %dma_wait3A_56] : memref<57344x128xf32, #tpu.memory_space<hbm>> -> memref<224x128xf32, #tpu.memory_space<hbm>>
    tpu.wait_dma2 semaphore(%arg17 : memref<!tpu.dma_semaphore, #tpu.memory_space<semaphore_mem>>) src(%arg12 : memref<224x128xf32, #tpu.memory_space<vmem>>) dst(%dma_wait3A_57 : memref<224x128xf32, #tpu.memory_space<hbm>>)
    %dma_start3A_58 = arith.constant 672 : i32
    %dma_start3A_59 = tpu.memref_slice %arg10[%dma_start3A_58] : memref<1792xi32, #tpu.memory_space<vmem>> -> memref<224xi32, #tpu.memory_space<vmem>>
    %dma_start3A_60 = arith.constant 0 : i32
    %dma_start3A_61 = arith.constant 0 : i32
    %dma_start3A_62 = tpu.memref_slice %arg20[%dma_start3A_60, %dma_start3A_61] : memref<2048x128xf32, #tpu.memory_space<vmem_shared>> -> memref<2048x128xf32, #tpu.memory_space<vmem_shared>>
    tpu.enqueue_indirect_dma source(%dma_start3A_62 : memref<2048x128xf32, #tpu.memory_space<vmem_shared>>) target(%arg12 : memref<224x128xf32, #tpu.memory_space<vmem>>) offsets(%dma_start3A_59 : memref<224xi32, #tpu.memory_space<vmem>>) semaphore(%arg16 : memref<!tpu.dma_semaphore, #tpu.memory_space<semaphore_mem>>)
    %dma_wait3A_63 = arith.constant 448 : i32
    %dma_wait3A_64 = tpu.memref_slice %arg10[%dma_wait3A_63] : memref<1792xi32, #tpu.memory_space<vmem>> -> memref<224xi32, #tpu.memory_space<vmem>>
    %dma_wait3A_65 = arith.constant 0 : i32
    %dma_wait3A_66 = arith.constant 0 : i32
    %dma_wait3A_67 = tpu.memref_slice %arg20[%dma_wait3A_65, %dma_wait3A_66] : memref<2048x128xf32, #tpu.memory_space<vmem_shared>> -> memref<2048x128xf32, #tpu.memory_space<vmem_shared>>
    tpu.wait_indirect_dma semaphore(%arg16 : memref<!tpu.dma_semaphore, #tpu.memory_space<semaphore_mem>>) src(%dma_wait3A_67 : memref<2048x128xf32, #tpu.memory_space<vmem_shared>>) dst(%arg11 : memref<224x128xf32, #tpu.memory_space<vmem>>)
    %add3A_68 = arith.constant 448 : i32
    %add3A_69 = arith.addi %mul3A_2, %add3A_68 : i32
    %dma_start3A_70 = arith.constant 0 : i32
    %dma_start3A_71 = tpu.memref_slice %arg7[%add3A_69, %dma_start3A_70] : memref<57344x128xf32, #tpu.memory_space<hbm>> -> memref<224x128xf32, #tpu.memory_space<hbm>>
    %dma_start3A_72 = arith.constant 0 : i32
    %dma_start3A_73 = tpu.memref_slice %arg7[%add3A_69, %dma_start3A_72] : memref<57344x128xf32, #tpu.memory_space<hbm>> -> memref<224x128xf32, #tpu.memory_space<hbm>>
    tpu.enqueue_dma source(%arg11 : memref<224x128xf32, #tpu.memory_space<vmem>>) target(%dma_start3A_73 : memref<224x128xf32, #tpu.memory_space<hbm>>) target_semaphore(%arg17 : memref<!tpu.dma_semaphore, #tpu.memory_space<semaphore_mem>>)
    %dma_wait3A_74 = arith.constant 0 : i32
    %dma_wait3A_75 = tpu.memref_slice %arg7[%add3A_69, %dma_wait3A_74] : memref<57344x128xf32, #tpu.memory_space<hbm>> -> memref<224x128xf32, #tpu.memory_space<hbm>>
    %dma_wait3A_76 = arith.constant 0 : i32
    %dma_wait3A_77 = tpu.memref_slice %arg7[%add3A_69, %dma_wait3A_76] : memref<57344x128xf32, #tpu.memory_space<hbm>> -> memref<224x128xf32, #tpu.memory_space<hbm>>
    tpu.wait_dma2 semaphore(%arg17 : memref<!tpu.dma_semaphore, #tpu.memory_space<semaphore_mem>>) src(%arg11 : memref<224x128xf32, #tpu.memory_space<vmem>>) dst(%dma_wait3A_77 : memref<224x128xf32, #tpu.memory_space<hbm>>)
    %dma_start3A_78 = arith.constant 896 : i32
    %dma_start3A_79 = tpu.memref_slice %arg10[%dma_start3A_78] : memref<1792xi32, #tpu.memory_space<vmem>> -> memref<224xi32, #tpu.memory_space<vmem>>
    %dma_start3A_80 = arith.constant 0 : i32
    %dma_start3A_81 = arith.constant 0 : i32
    %dma_start3A_82 = tpu.memref_slice %arg20[%dma_start3A_80, %dma_start3A_81] : memref<2048x128xf32, #tpu.memory_space<vmem_shared>> -> memref<2048x128xf32, #tpu.memory_space<vmem_shared>>
    tpu.enqueue_indirect_dma source(%dma_start3A_82 : memref<2048x128xf32, #tpu.memory_space<vmem_shared>>) target(%arg11 : memref<224x128xf32, #tpu.memory_space<vmem>>) offsets(%dma_start3A_79 : memref<224xi32, #tpu.memory_space<vmem>>) semaphore(%arg16 : memref<!tpu.dma_semaphore, #tpu.memory_space<semaphore_mem>>)
    %dma_wait3A_83 = arith.constant 672 : i32
    %dma_wait3A_84 = tpu.memref_slice %arg10[%dma_wait3A_83] : memref<1792xi32, #tpu.memory_space<vmem>> -> memref<224xi32, #tpu.memory_space<vmem>>
    %dma_wait3A_85 = arith.constant 0 : i32
    %dma_wait3A_86 = arith.constant 0 : i32
    %dma_wait3A_87 = tpu.memref_slice %arg20[%dma_wait3A_85, %dma_wait3A_86] : memref<2048x128xf32, #tpu.memory_space<vmem_shared>> -> memref<2048x128xf32, #tpu.memory_space<vmem_shared>>
    tpu.wait_indirect_dma semaphore(%arg16 : memref<!tpu.dma_semaphore, #tpu.memory_space<semaphore_mem>>) src(%dma_wait3A_87 : memref<2048x128xf32, #tpu.memory_space<vmem_shared>>) dst(%arg12 : memref<224x128xf32, #tpu.memory_space<vmem>>)
    %add3A_88 = arith.constant 672 : i32
    %add3A_89 = arith.addi %mul3A_2, %add3A_88 : i32
    %dma_start3A_90 = arith.constant 0 : i32
    %dma_start3A_91 = tpu.memref_slice %arg7[%add3A_89, %dma_start3A_90] : memref<57344x128xf32, #tpu.memory_space<hbm>> -> memref<224x128xf32, #tpu.memory_space<hbm>>
    %dma_start3A_92 = arith.constant 0 : i32
    %dma_start3A_93 = tpu.memref_slice %arg7[%add3A_89, %dma_start3A_92] : memref<57344x128xf32, #tpu.memory_space<hbm>> -> memref<224x128xf32, #tpu.memory_space<hbm>>
    tpu.enqueue_dma source(%arg12 : memref<224x128xf32, #tpu.memory_space<vmem>>) target(%dma_start3A_93 : memref<224x128xf32, #tpu.memory_space<hbm>>) target_semaphore(%arg17 : memref<!tpu.dma_semaphore, #tpu.memory_space<semaphore_mem>>)
    %dma_wait3A_94 = arith.constant 0 : i32
    %dma_wait3A_95 = tpu.memref_slice %arg7[%add3A_89, %dma_wait3A_94] : memref<57344x128xf32, #tpu.memory_space<hbm>> -> memref<224x128xf32, #tpu.memory_space<hbm>>
    %dma_wait3A_96 = arith.constant 0 : i32
    %dma_wait3A_97 = tpu.memref_slice %arg7[%add3A_89, %dma_wait3A_96] : memref<57344x128xf32, #tpu.memory_space<hbm>> -> memref<224x128xf32, #tpu.memory_space<hbm>>
    tpu.wait_dma2 semaphore(%arg17 : memref<!tpu.dma_semaphore, #tpu.memory_space<semaphore_mem>>) src(%arg12 : memref<224x128xf32, #tpu.memory_space<vmem>>) dst(%dma_wait3A_97 : memref<224x128xf32, #tpu.memory_space<hbm>>)
    %dma_start3A_98 = arith.constant 1120 : i32
    %dma_start3A_99 = tpu.memref_slice %arg10[%dma_start3A_98] : memref<1792xi32, #tpu.memory_space<vmem>> -> memref<224xi32, #tpu.memory_space<vmem>>
    %dma_start3A_100 = arith.constant 0 : i32
    %dma_start3A_101 = arith.constant 0 : i32
    %dma_start3A_102 = tpu.memref_slice %arg20[%dma_start3A_100, %dma_start3A_101] : memref<2048x128xf32, #tpu.memory_space<vmem_shared>> -> memref<2048x128xf32, #tpu.memory_space<vmem_shared>>
    tpu.enqueue_indirect_dma source(%dma_start3A_102 : memref<2048x128xf32, #tpu.memory_space<vmem_shared>>) target(%arg12 : memref<224x128xf32, #tpu.memory_space<vmem>>) offsets(%dma_start3A_99 : memref<224xi32, #tpu.memory_space<vmem>>) semaphore(%arg16 : memref<!tpu.dma_semaphore, #tpu.memory_space<semaphore_mem>>)
    %dma_wait3A_103 = arith.constant 896 : i32
    %dma_wait3A_104 = tpu.memref_slice %arg10[%dma_wait3A_103] : memref<1792xi32, #tpu.memory_space<vmem>> -> memref<224xi32, #tpu.memory_space<vmem>>
    %dma_wait3A_105 = arith.constant 0 : i32
    %dma_wait3A_106 = arith.constant 0 : i32
    %dma_wait3A_107 = tpu.memref_slice %arg20[%dma_wait3A_105, %dma_wait3A_106] : memref<2048x128xf32, #tpu.memory_space<vmem_shared>> -> memref<2048x128xf32, #tpu.memory_space<vmem_shared>>
    tpu.wait_indirect_dma semaphore(%arg16 : memref<!tpu.dma_semaphore, #tpu.memory_space<semaphore_mem>>) src(%dma_wait3A_107 : memref<2048x128xf32, #tpu.memory_space<vmem_shared>>) dst(%arg11 : memref<224x128xf32, #tpu.memory_space<vmem>>)
    %add3A_108 = arith.constant 896 : i32
    %add3A_109 = arith.addi %mul3A_2, %add3A_108 : i32
    %dma_start3A_110 = arith.constant 0 : i32
    %dma_start3A_111 = tpu.memref_slice %arg7[%add3A_109, %dma_start3A_110] : memref<57344x128xf32, #tpu.memory_space<hbm>> -> memref<224x128xf32, #tpu.memory_space<hbm>>
    %dma_start3A_112 = arith.constant 0 : i32
    %dma_start3A_113 = tpu.memref_slice %arg7[%add3A_109, %dma_start3A_112] : memref<57344x128xf32, #tpu.memory_space<hbm>> -> memref<224x128xf32, #tpu.memory_space<hbm>>
    tpu.enqueue_dma source(%arg11 : memref<224x128xf32, #tpu.memory_space<vmem>>) target(%dma_start3A_113 : memref<224x128xf32, #tpu.memory_space<hbm>>) target_semaphore(%arg17 : memref<!tpu.dma_semaphore, #tpu.memory_space<semaphore_mem>>)
    %dma_wait3A_114 = arith.constant 0 : i32
    %dma_wait3A_115 = tpu.memref_slice %arg7[%add3A_109, %dma_wait3A_114] : memref<57344x128xf32, #tpu.memory_space<hbm>> -> memref<224x128xf32, #tpu.memory_space<hbm>>
    %dma_wait3A_116 = arith.constant 0 : i32
    %dma_wait3A_117 = tpu.memref_slice %arg7[%add3A_109, %dma_wait3A_116] : memref<57344x128xf32, #tpu.memory_space<hbm>> -> memref<224x128xf32, #tpu.memory_space<hbm>>
    tpu.wait_dma2 semaphore(%arg17 : memref<!tpu.dma_semaphore, #tpu.memory_space<semaphore_mem>>) src(%arg11 : memref<224x128xf32, #tpu.memory_space<vmem>>) dst(%dma_wait3A_117 : memref<224x128xf32, #tpu.memory_space<hbm>>)
    %dma_start3A_118 = arith.constant 1344 : i32
    %dma_start3A_119 = tpu.memref_slice %arg10[%dma_start3A_118] : memref<1792xi32, #tpu.memory_space<vmem>> -> memref<224xi32, #tpu.memory_space<vmem>>
    %dma_start3A_120 = arith.constant 0 : i32
    %dma_start3A_121 = arith.constant 0 : i32
    %dma_start3A_122 = tpu.memref_slice %arg20[%dma_start3A_120, %dma_start3A_121] : memref<2048x128xf32, #tpu.memory_space<vmem_shared>> -> memref<2048x128xf32, #tpu.memory_space<vmem_shared>>
    tpu.enqueue_indirect_dma source(%dma_start3A_122 : memref<2048x128xf32, #tpu.memory_space<vmem_shared>>) target(%arg11 : memref<224x128xf32, #tpu.memory_space<vmem>>) offsets(%dma_start3A_119 : memref<224xi32, #tpu.memory_space<vmem>>) semaphore(%arg16 : memref<!tpu.dma_semaphore, #tpu.memory_space<semaphore_mem>>)
    %dma_wait3A_123 = arith.constant 1120 : i32
    %dma_wait3A_124 = tpu.memref_slice %arg10[%dma_wait3A_123] : memref<1792xi32, #tpu.memory_space<vmem>> -> memref<224xi32, #tpu.memory_space<vmem>>
    %dma_wait3A_125 = arith.constant 0 : i32
    %dma_wait3A_126 = arith.constant 0 : i32
    %dma_wait3A_127 = tpu.memref_slice %arg20[%dma_wait3A_125, %dma_wait3A_126] : memref<2048x128xf32, #tpu.memory_space<vmem_shared>> -> memref<2048x128xf32, #tpu.memory_space<vmem_shared>>
    tpu.wait_indirect_dma semaphore(%arg16 : memref<!tpu.dma_semaphore, #tpu.memory_space<semaphore_mem>>) src(%dma_wait3A_127 : memref<2048x128xf32, #tpu.memory_space<vmem_shared>>) dst(%arg12 : memref<224x128xf32, #tpu.memory_space<vmem>>)
    %add3A_128 = arith.constant 1120 : i32
    %add3A_129 = arith.addi %mul3A_2, %add3A_128 : i32
    %dma_start3A_130 = arith.constant 0 : i32
    %dma_start3A_131 = tpu.memref_slice %arg7[%add3A_129, %dma_start3A_130] : memref<57344x128xf32, #tpu.memory_space<hbm>> -> memref<224x128xf32, #tpu.memory_space<hbm>>
    %dma_start3A_132 = arith.constant 0 : i32
    %dma_start3A_133 = tpu.memref_slice %arg7[%add3A_129, %dma_start3A_132] : memref<57344x128xf32, #tpu.memory_space<hbm>> -> memref<224x128xf32, #tpu.memory_space<hbm>>
    tpu.enqueue_dma source(%arg12 : memref<224x128xf32, #tpu.memory_space<vmem>>) target(%dma_start3A_133 : memref<224x128xf32, #tpu.memory_space<hbm>>) target_semaphore(%arg17 : memref<!tpu.dma_semaphore, #tpu.memory_space<semaphore_mem>>)
    %dma_wait3A_134 = arith.constant 0 : i32
    %dma_wait3A_135 = tpu.memref_slice %arg7[%add3A_129, %dma_wait3A_134] : memref<57344x128xf32, #tpu.memory_space<hbm>> -> memref<224x128xf32, #tpu.memory_space<hbm>>
    %dma_wait3A_136 = arith.constant 0 : i32
    %dma_wait3A_137 = tpu.memref_slice %arg7[%add3A_129, %dma_wait3A_136] : memref<57344x128xf32, #tpu.memory_space<hbm>> -> memref<224x128xf32, #tpu.memory_space<hbm>>
    tpu.wait_dma2 semaphore(%arg17 : memref<!tpu.dma_semaphore, #tpu.memory_space<semaphore_mem>>) src(%arg12 : memref<224x128xf32, #tpu.memory_space<vmem>>) dst(%dma_wait3A_137 : memref<224x128xf32, #tpu.memory_space<hbm>>)
    %dma_start3A_138 = arith.constant 1568 : i32
    %dma_start3A_139 = tpu.memref_slice %arg10[%dma_start3A_138] : memref<1792xi32, #tpu.memory_space<vmem>> -> memref<224xi32, #tpu.memory_space<vmem>>
    %dma_start3A_140 = arith.constant 0 : i32
    %dma_start3A_141 = arith.constant 0 : i32
    %dma_start3A_142 = tpu.memref_slice %arg20[%dma_start3A_140, %dma_start3A_141] : memref<2048x128xf32, #tpu.memory_space<vmem_shared>> -> memref<2048x128xf32, #tpu.memory_space<vmem_shared>>
    tpu.enqueue_indirect_dma source(%dma_start3A_142 : memref<2048x128xf32, #tpu.memory_space<vmem_shared>>) target(%arg12 : memref<224x128xf32, #tpu.memory_space<vmem>>) offsets(%dma_start3A_139 : memref<224xi32, #tpu.memory_space<vmem>>) semaphore(%arg16 : memref<!tpu.dma_semaphore, #tpu.memory_space<semaphore_mem>>)
    %dma_wait3A_143 = arith.constant 1344 : i32
    %dma_wait3A_144 = tpu.memref_slice %arg10[%dma_wait3A_143] : memref<1792xi32, #tpu.memory_space<vmem>> -> memref<224xi32, #tpu.memory_space<vmem>>
    %dma_wait3A_145 = arith.constant 0 : i32
    %dma_wait3A_146 = arith.constant 0 : i32
    %dma_wait3A_147 = tpu.memref_slice %arg20[%dma_wait3A_145, %dma_wait3A_146] : memref<2048x128xf32, #tpu.memory_space<vmem_shared>> -> memref<2048x128xf32, #tpu.memory_space<vmem_shared>>
    tpu.wait_indirect_dma semaphore(%arg16 : memref<!tpu.dma_semaphore, #tpu.memory_space<semaphore_mem>>) src(%dma_wait3A_147 : memref<2048x128xf32, #tpu.memory_space<vmem_shared>>) dst(%arg11 : memref<224x128xf32, #tpu.memory_space<vmem>>)
    %add3A_148 = arith.constant 1344 : i32
    %add3A_149 = arith.addi %mul3A_2, %add3A_148 : i32
    %dma_start3A_150 = arith.constant 0 : i32
    %dma_start3A_151 = tpu.memref_slice %arg7[%add3A_149, %dma_start3A_150] : memref<57344x128xf32, #tpu.memory_space<hbm>> -> memref<224x128xf32, #tpu.memory_space<hbm>>
    %dma_start3A_152 = arith.constant 0 : i32
    %dma_start3A_153 = tpu.memref_slice %arg7[%add3A_149, %dma_start3A_152] : memref<57344x128xf32, #tpu.memory_space<hbm>> -> memref<224x128xf32, #tpu.memory_space<hbm>>
    tpu.enqueue_dma source(%arg11 : memref<224x128xf32, #tpu.memory_space<vmem>>) target(%dma_start3A_153 : memref<224x128xf32, #tpu.memory_space<hbm>>) target_semaphore(%arg17 : memref<!tpu.dma_semaphore, #tpu.memory_space<semaphore_mem>>)
    %dma_wait3A_154 = arith.constant 1568 : i32
    %dma_wait3A_155 = tpu.memref_slice %arg10[%dma_wait3A_154] : memref<1792xi32, #tpu.memory_space<vmem>> -> memref<224xi32, #tpu.memory_space<vmem>>
    %dma_wait3A_156 = arith.constant 0 : i32
    %dma_wait3A_157 = arith.constant 0 : i32
    %dma_wait3A_158 = tpu.memref_slice %arg20[%dma_wait3A_156, %dma_wait3A_157] : memref<2048x128xf32, #tpu.memory_space<vmem_shared>> -> memref<2048x128xf32, #tpu.memory_space<vmem_shared>>
    tpu.wait_indirect_dma semaphore(%arg16 : memref<!tpu.dma_semaphore, #tpu.memory_space<semaphore_mem>>) src(%dma_wait3A_158 : memref<2048x128xf32, #tpu.memory_space<vmem_shared>>) dst(%arg12 : memref<224x128xf32, #tpu.memory_space<vmem>>)
    %add3A_159 = arith.constant 1568 : i32
    %add3A_160 = arith.addi %mul3A_2, %add3A_159 : i32
    %dma_start3A_161 = arith.constant 0 : i32
    %dma_start3A_162 = tpu.memref_slice %arg7[%add3A_160, %dma_start3A_161] : memref<57344x128xf32, #tpu.memory_space<hbm>> -> memref<224x128xf32, #tpu.memory_space<hbm>>
    %dma_start3A_163 = arith.constant 0 : i32
    %dma_start3A_164 = tpu.memref_slice %arg7[%add3A_160, %dma_start3A_163] : memref<57344x128xf32, #tpu.memory_space<hbm>> -> memref<224x128xf32, #tpu.memory_space<hbm>>
    tpu.enqueue_dma source(%arg12 : memref<224x128xf32, #tpu.memory_space<vmem>>) target(%dma_start3A_164 : memref<224x128xf32, #tpu.memory_space<hbm>>) target_semaphore(%arg17 : memref<!tpu.dma_semaphore, #tpu.memory_space<semaphore_mem>>)
    %dma_wait3A_165 = arith.constant 0 : i32
    %dma_wait3A_166 = tpu.memref_slice %arg7[%add3A_149, %dma_wait3A_165] : memref<57344x128xf32, #tpu.memory_space<hbm>> -> memref<224x128xf32, #tpu.memory_space<hbm>>
    %dma_wait3A_167 = arith.constant 0 : i32
    %dma_wait3A_168 = tpu.memref_slice %arg7[%add3A_149, %dma_wait3A_167] : memref<57344x128xf32, #tpu.memory_space<hbm>> -> memref<224x128xf32, #tpu.memory_space<hbm>>
    tpu.wait_dma2 semaphore(%arg17 : memref<!tpu.dma_semaphore, #tpu.memory_space<semaphore_mem>>) src(%arg11 : memref<224x128xf32, #tpu.memory_space<vmem>>) dst(%dma_wait3A_168 : memref<224x128xf32, #tpu.memory_space<hbm>>)
    %dma_wait3A_169 = arith.constant 0 : i32
    %dma_wait3A_170 = tpu.memref_slice %arg7[%add3A_160, %dma_wait3A_169] : memref<57344x128xf32, #tpu.memory_space<hbm>> -> memref<224x128xf32, #tpu.memory_space<hbm>>
    %dma_wait3A_171 = arith.constant 0 : i32
    %dma_wait3A_172 = tpu.memref_slice %arg7[%add3A_160, %dma_wait3A_171] : memref<57344x128xf32, #tpu.memory_space<hbm>> -> memref<224x128xf32, #tpu.memory_space<hbm>>
    tpu.wait_dma2 semaphore(%arg17 : memref<!tpu.dma_semaphore, #tpu.memory_space<semaphore_mem>>) src(%arg12 : memref<224x128xf32, #tpu.memory_space<vmem>>) dst(%dma_wait3A_172 : memref<224x128xf32, #tpu.memory_space<hbm>>)
    %dma_wait3A_173 = arith.constant 0 : i32
    %dma_wait3A_174 = arith.constant 0 : i32
    %dma_wait3A_175 = tpu.memref_slice %arg4[%dma_wait3A_173, %dma_wait3A_174] : memref<1024x128xf32, #tpu.memory_space<hbm>> -> memref<1024x128xf32, #tpu.memory_space<hbm>>
    tpu.wait_indirect_dma semaphore(%arg18 : memref<!tpu.dma_semaphore, #tpu.memory_space<semaphore_mem>>) src(%dma_wait3A_175 : memref<1024x128xf32, #tpu.memory_space<hbm>>) dst(%arg14 : memref<32x128xf32, #tpu.memory_space<vmem>>)
    %dma_wait3A_176 = arith.constant 0 : i32
    %dma_wait3A_177 = arith.constant 0 : i32
    %dma_wait3A_178 = tpu.memref_slice %arg6[%dma_wait3A_176, %dma_wait3A_177] : memref<1024x512xf32, #tpu.memory_space<hbm>> -> memref<1024x512xf32, #tpu.memory_space<hbm>>
    tpu.wait_indirect_dma semaphore(%arg19 : memref<!tpu.dma_semaphore, #tpu.memory_space<semaphore_mem>>) src(%dma_wait3A_178 : memref<1024x512xf32, #tpu.memory_space<hbm>>) dst(%arg15 : memref<32x512xf32, #tpu.memory_space<vmem>>)
    "tpu.region"() ({
      %run_scoped3A = tpu.sem_alloc : memref<!tpu.dma_semaphore, #tpu.memory_space<semaphore_mem>>
      %dma_start3A_179 = arith.constant 0 : i32
      %dma_start3A_180 = tpu.memref_slice %arg8[%mul3A_4, %dma_start3A_179] : memref<1024x128xf32, #tpu.memory_space<hbm>> -> memref<32x128xf32, #tpu.memory_space<hbm>>
      %dma_start3A_181 = arith.constant 0 : i32
      %dma_start3A_182 = tpu.memref_slice %arg8[%mul3A_4, %dma_start3A_181] : memref<1024x128xf32, #tpu.memory_space<hbm>> -> memref<32x128xf32, #tpu.memory_space<hbm>>
      tpu.enqueue_dma source(%arg14 : memref<32x128xf32, #tpu.memory_space<vmem>>) target(%dma_start3A_182 : memref<32x128xf32, #tpu.memory_space<hbm>>) target_semaphore(%run_scoped3A : memref<!tpu.dma_semaphore, #tpu.memory_space<semaphore_mem>>)
      %dma_wait3A_183 = arith.constant 0 : i32
      %dma_wait3A_184 = tpu.memref_slice %arg8[%mul3A_4, %dma_wait3A_183] : memref<1024x128xf32, #tpu.memory_space<hbm>> -> memref<32x128xf32, #tpu.memory_space<hbm>>
      %dma_wait3A_185 = arith.constant 0 : i32
      %dma_wait3A_186 = tpu.memref_slice %arg8[%mul3A_4, %dma_wait3A_185] : memref<1024x128xf32, #tpu.memory_space<hbm>> -> memref<32x128xf32, #tpu.memory_space<hbm>>
      tpu.wait_dma2 semaphore(%run_scoped3A : memref<!tpu.dma_semaphore, #tpu.memory_space<semaphore_mem>>) src(%arg14 : memref<32x128xf32, #tpu.memory_space<vmem>>) dst(%dma_wait3A_186 : memref<32x128xf32, #tpu.memory_space<hbm>>)
      tpu.yield
    }) : () -> ()
    "tpu.region"() ({
      %run_scoped3A = tpu.sem_alloc : memref<!tpu.dma_semaphore, #tpu.memory_space<semaphore_mem>>
      %dma_start3A_179 = arith.constant 0 : i32
      %dma_start3A_180 = tpu.memref_slice %arg9[%mul3A_4, %dma_start3A_179] : memref<1024x512xf32, #tpu.memory_space<hbm>> -> memref<32x512xf32, #tpu.memory_space<hbm>>
      %dma_start3A_181 = arith.constant 0 : i32
      %dma_start3A_182 = tpu.memref_slice %arg9[%mul3A_4, %dma_start3A_181] : memref<1024x512xf32, #tpu.memory_space<hbm>> -> memref<32x512xf32, #tpu.memory_space<hbm>>
      tpu.enqueue_dma source(%arg15 : memref<32x512xf32, #tpu.memory_space<vmem>>) target(%dma_start3A_182 : memref<32x512xf32, #tpu.memory_space<hbm>>) target_semaphore(%run_scoped3A : memref<!tpu.dma_semaphore, #tpu.memory_space<semaphore_mem>>)
      %dma_wait3A_183 = arith.constant 0 : i32
      %dma_wait3A_184 = tpu.memref_slice %arg9[%mul3A_4, %dma_wait3A_183] : memref<1024x512xf32, #tpu.memory_space<hbm>> -> memref<32x512xf32, #tpu.memory_space<hbm>>
      %dma_wait3A_185 = arith.constant 0 : i32
      %dma_wait3A_186 = tpu.memref_slice %arg9[%mul3A_4, %dma_wait3A_185] : memref<1024x512xf32, #tpu.memory_space<hbm>> -> memref<32x512xf32, #tpu.memory_space<hbm>>
      tpu.wait_dma2 semaphore(%run_scoped3A : memref<!tpu.dma_semaphore, #tpu.memory_space<semaphore_mem>>) src(%arg15 : memref<32x512xf32, #tpu.memory_space<vmem>>) dst(%dma_wait3A_186 : memref<32x512xf32, #tpu.memory_space<hbm>>)
      tpu.yield
    }) : () -> ()
    return
  }
}

module attributes {stable_mosaic.version = 14 : i64} {
  func.func @_tc_body(%arg0: i32, %arg1: memref<256x56x128xf32, #tpu.memory_space<vmem>>, %arg2: memref<256x56xi32, #tpu.memory_space<vmem>>, %arg3: memref<256x128xi32, #tpu.memory_space<vmem>>, %arg4: memref<256x500xf32, #tpu.memory_space<vmem>>, %arg5: memref<256x512xf32, #tpu.memory_space<vmem>>, %arg6: memref<500x64xf32, #tpu.memory_space<vmem>>, %arg7: memref<64x500xf32, #tpu.memory_space<vmem>>, %arg8: memref<500x500xf32, #tpu.memory_space<vmem>>, %arg9: memref<56x112xf32, #tpu.memory_space<vmem>>, %arg10: memref<256x500xf32, #tpu.memory_space<vmem>>, %arg11: memref<1x128xf32, #tpu.memory_space<vmem>>) attributes {dimension_semantics = [#tpu.dimension_semantics<arbitrary>], iteration_bounds = array<i64: 4>, scalar_prefetch = 0 : i64, scratch_operands = 0 : i64, tpu.core_type = #tpu.core_type<tc>, window_params = [{transform_indices = @transform_0, window_bounds = array<i64: 256, 56, 128>}, {transform_indices = @transform_1, window_bounds = array<i64: 256, 56>}, {transform_indices = @transform_2, window_bounds = array<i64: 256, 128>}, {transform_indices = @transform_3, window_bounds = array<i64: 256, 500>}, {transform_indices = @transform_4, window_bounds = array<i64: 256, 512>}, {pipeline_mode = #tpu.pipeline_mode<synchronous>, transform_indices = @transform_5, window_bounds = array<i64: 500, 64>}, {pipeline_mode = #tpu.pipeline_mode<synchronous>, transform_indices = @transform_6, window_bounds = array<i64: 64, 500>}, {pipeline_mode = #tpu.pipeline_mode<synchronous>, transform_indices = @transform_7, window_bounds = array<i64: 500, 500>}, {pipeline_mode = #tpu.pipeline_mode<synchronous>, transform_indices = @transform_8, window_bounds = array<i64: 56, 112>}, {transform_indices = @transform_9, window_bounds = array<i64: 256, 500>}, {pipeline_mode = #tpu.pipeline_mode<synchronous>, transform_indices = @transform_10, window_bounds = array<i64: 1, 128>}]} {
    %iota3A = tpu.iota {dimensions = array<i32: 1>} : vector<1x56x1xi32>
    %lt3A = arith.constant 50 : i32
    %lt3A_0 = vector.broadcast %lt3A : i32 to vector<1x56x1xi32>
    %lt3A_1 = arith.cmpi slt, %iota3A, %lt3A_0 : vector<1x56x1xi32>
    %get3A = arith.constant 0 : index
    %get3A_2 = arith.constant 0 : index
    %get3A_3 = arith.constant 0 : index
    %get3A_4 = vector.load %arg1[%get3A, %get3A_2, %get3A_3] : memref<256x56x128xf32, #tpu.memory_space<vmem>>, vector<256x56x128xf32>
    %jit3A = arith.constant 0.000000e+00 : f32
    %broadcast_in_dim3A = vector.shape_cast %lt3A_1 : vector<1x56x1xi1> to vector<1x56x1xi1>
    %broadcast_in_dim3A_5 = vector.broadcast %broadcast_in_dim3A : vector<1x56x1xi1> to vector<256x56x128xi1>
    %broadcast_in_dim3A_6 = vector.broadcast %jit3A : f32 to vector<256x56x128xf32>
    %select_n3A = arith.select %broadcast_in_dim3A_5, %get3A_4, %broadcast_in_dim3A_6 : vector<256x56x128xi1>, vector<256x56x128xf32>
    %reduce_sum3A = arith.constant dense<0.000000e+00> : vector<256x128xf32>
    %reduce_sum3A_7 = vector.multi_reduction <add>, %select_n3A, %reduce_sum3A [1] : vector<256x56x128xf32> to vector<256x128xf32>
    %slice3A = vector.extract_strided_slice %reduce_sum3A_7 {offsets = [0, 0], sizes = [256, 64], strides = [1, 1]} : vector<256x128xf32> to vector<256x64xf32>
    %slice3A_8 = vector.extract_strided_slice %reduce_sum3A_7 {offsets = [0, 64], sizes = [256, 1], strides = [1, 1]} : vector<256x128xf32> to vector<256x1xf32>
    %div3A = vector.broadcast %slice3A_8 : vector<256x1xf32> to vector<256x64xf32>
    %div3A_9 = arith.divf %slice3A, %div3A : vector<256x64xf32>
    %get3A_10 = arith.constant 0 : index
    %get3A_11 = arith.constant 0 : index
    %get3A_12 = vector.load %arg7[%get3A_10, %get3A_11] : memref<64x500xf32, #tpu.memory_space<vmem>>, vector<64x500xf32>
    %dot_general3A = arith.constant dense<0.000000e+00> : vector<256x500xf32>
    %dot_general3A_13 = tpu.matmul %div3A_9, %get3A_12, %dot_general3A {dimension_numbers = #tpu.dot_dimension_numbers<[1], [0], [0], [1], [0, 0, 1, 1], [], []>, transpose_lhs_hint = false} : vector<256x64xf32>, vector<64x500xf32>, vector<256x500xf32> -> vector<256x500xf32>
    %swap3A = arith.constant 0 : index
    %swap3A_14 = arith.constant 0 : index
    %swap3A_15 = vector.load %arg10[%swap3A, %swap3A_14] : memref<256x500xf32, #tpu.memory_space<vmem>>, vector<256x500xf32>
    tpu.vector_store %arg10[%swap3A, %swap3A_14], %dot_general3A_13 {strides = array<i32>} : memref<256x500xf32, #tpu.memory_space<vmem>>, vector<256x500xf32>,
    %neg3A = arith.constant 0.000000e+00 : f32
    %neg3A_16 = vector.broadcast %neg3A : f32 to vector<256x500xf32>
    %neg3A_17 = arith.subf %neg3A_16, %dot_general3A_13 : vector<256x500xf32>
    %exp3A = math.exp %neg3A_17 : vector<256x500xf32>
    %add3A = arith.constant 1.000000e+00 : f32
    %add3A_18 = vector.broadcast %add3A : f32 to vector<256x500xf32>
    %add3A_19 = arith.addf %add3A_18, %exp3A : vector<256x500xf32>
    %div3A_20 = arith.constant 1.000000e+00 : f32
    %div3A_21 = vector.broadcast %div3A_20 : f32 to vector<256x500xf32>
    %div3A_22 = arith.divf %div3A_21, %add3A_19 : vector<256x500xf32>
    %get3A_23 = arith.constant 0 : index
    %get3A_24 = arith.constant 0 : index
    %get3A_25 = vector.load %arg8[%get3A_23, %get3A_24] : memref<500x500xf32, #tpu.memory_space<vmem>>, vector<500x500xf32>
    %dot_general3A_26 = arith.constant dense<0.000000e+00> : vector<256x500xf32>
    %dot_general3A_27 = tpu.matmul %div3A_22, %get3A_25, %dot_general3A_26 {dimension_numbers = #tpu.dot_dimension_numbers<[1], [0], [0], [1], [0, 0, 1, 1], [], []>, transpose_lhs_hint = false} : vector<256x500xf32>, vector<500x500xf32>, vector<256x500xf32> -> vector<256x500xf32>
    %mul3A = arith.mulf %dot_general3A_27, %div3A_22 : vector<256x500xf32>
    %reduce_sum3A_28 = vector.shape_cast %mul3A : vector<256x500xf32> to vector<1x256x500xf32>
    %reduce_sum3A_29 = arith.constant dense<0.000000e+00> : vector<1xf32>
    %reduce_sum3A_30 = vector.multi_reduction <add>, %reduce_sum3A_28, %reduce_sum3A_29 [1, 2] : vector<1x256x500xf32> to vector<1xf32>
    %reduce_sum3A_31 = vector.shape_cast %reduce_sum3A_30 : vector<1xf32> to vector<1x1x1xf32>
    %reduce_sum3A_32 = vector.extract %reduce_sum3A_31[0, 0, 0] : f32 from vector<1x1x1xf32>
    %get3A_33 = arith.constant 0 : index
    %get3A_34 = arith.constant 0 : index
    %get3A_35 = vector.load %arg2[%get3A_33, %get3A_34] : memref<256x56xi32, #tpu.memory_space<vmem>>, vector<256x56xi32>
    %get3A_36 = arith.constant 0 : index
    %get3A_37 = arith.constant 0 : index
    %get3A_38 = vector.load %arg3[%get3A_36, %get3A_37] : memref<256x128xi32, #tpu.memory_space<vmem>>, vector<256x128xi32>
    %slice3A_39 = vector.extract_strided_slice %get3A_38 {offsets = [0, 0], sizes = [256, 56], strides = [1, 1]} : vector<256x128xi32> to vector<256x56xi32>
    %concatenate3A = tpu.concatenate %slice3A_39, %get3A_35 in 1 : vector<256x56xi32>, vector<256x56xi32> -> vector<256x112xi32>
    %broadcast_in_dim3A_40 = vector.shape_cast %get3A_35 : vector<256x56xi32> to vector<256x56x1xi32>
    %broadcast_in_dim3A_41 = vector.shape_cast %concatenate3A : vector<256x112xi32> to vector<256x1x112xi32>
    %eq3A = vector.broadcast %broadcast_in_dim3A_40 : vector<256x56x1xi32> to vector<256x56x112xi32>
    %eq3A_42 = vector.broadcast %broadcast_in_dim3A_41 : vector<256x1x112xi32> to vector<256x56x112xi32>
    %eq3A_43 = arith.cmpi eq, %eq3A, %eq3A_42 : vector<256x56x112xi32>
    %get3A_44 = arith.constant 0 : index
    %get3A_45 = arith.constant 0 : index
    %get3A_46 = vector.load %arg9[%get3A_44, %get3A_45] : memref<56x112xf32, #tpu.memory_space<vmem>>, vector<56x112xf32>
    %broadcast_in_dim3A_47 = vector.shape_cast %get3A_46 : vector<56x112xf32> to vector<1x56x112xf32>
    %jit3A_48 = arith.constant 0.000000e+00 : f32
    %broadcast_in_dim3A_49 = vector.shape_cast %broadcast_in_dim3A_47 : vector<1x56x112xf32> to vector<1x56x112xf32>
    %broadcast_in_dim3A_50 = vector.broadcast %broadcast_in_dim3A_49 : vector<1x56x112xf32> to vector<256x56x112xf32>
    %broadcast_in_dim3A_51 = vector.broadcast %jit3A_48 : f32 to vector<256x56x112xf32>
    %select_n3A_52 = arith.select %eq3A_43, %broadcast_in_dim3A_50, %broadcast_in_dim3A_51 : vector<256x56x112xi1>, vector<256x56x112xf32>
    %reduce_sum3A_53 = arith.constant dense<0.000000e+00> : vector<256x56xf32>
    %reduce_sum3A_54 = vector.multi_reduction <add>, %select_n3A_52, %reduce_sum3A_53 [2] : vector<256x56x112xf32> to vector<256x56xf32>
    %gt3A = arith.constant 0.000000e+00 : f32
    %gt3A_55 = vector.broadcast %gt3A : f32 to vector<256x56xf32>
    %gt3A_56 = arith.cmpf ogt, %reduce_sum3A_54, %gt3A_55 : vector<256x56xf32>
    %broadcast_in_dim3A_57 = vector.shape_cast %gt3A_56 : vector<256x56xi1> to vector<256x56x1xi1>
    %jit3A_58 = arith.constant 0.000000e+00 : f32
    %broadcast_in_dim3A_59 = vector.shape_cast %broadcast_in_dim3A_57 : vector<256x56x1xi1> to vector<256x56x1xi1>
    %broadcast_in_dim3A_60 = vector.broadcast %broadcast_in_dim3A_59 : vector<256x56x1xi1> to vector<256x56x128xi1>
    %broadcast_in_dim3A_61 = vector.broadcast %jit3A_58 : f32 to vector<256x56x128xf32>
    %select_n3A_62 = arith.select %broadcast_in_dim3A_60, %select_n3A, %broadcast_in_dim3A_61 : vector<256x56x128xi1>, vector<256x56x128xf32>
    %reduce_sum3A_63 = arith.constant dense<0.000000e+00> : vector<256x128xf32>
    %reduce_sum3A_64 = vector.multi_reduction <add>, %select_n3A_62, %reduce_sum3A_63 [1] : vector<256x56x128xf32> to vector<256x128xf32>
    %slice3A_65 = vector.extract_strided_slice %reduce_sum3A_64 {offsets = [0, 64], sizes = [256, 1], strides = [1, 1]} : vector<256x128xf32> to vector<256x1xf32>
    %slice3A_66 = vector.extract_strided_slice %reduce_sum3A_64 {offsets = [0, 0], sizes = [256, 64], strides = [1, 1]} : vector<256x128xf32> to vector<256x64xf32>
    %eq3A_67 = arith.constant 0.000000e+00 : f32
    %eq3A_68 = vector.broadcast %eq3A_67 : f32 to vector<256x1xf32>
    %eq3A_69 = arith.cmpf oeq, %slice3A_65, %eq3A_68 : vector<256x1xf32>
    %jit3A_70 = arith.constant 1.000000e+00 : f32
    %broadcast_in_dim3A_71 = vector.broadcast %jit3A_70 : f32 to vector<256x1xf32>
    %select_n3A_72 = arith.select %eq3A_69, %broadcast_in_dim3A_71, %slice3A_65 : vector<256x1xi1>, vector<256x1xf32>
    %div3A_73 = vector.broadcast %select_n3A_72 : vector<256x1xf32> to vector<256x64xf32>
    %div3A_74 = arith.divf %slice3A_66, %div3A_73 : vector<256x64xf32>
    %get3A_75 = arith.constant 0 : index
    %get3A_76 = arith.constant 0 : index
    %get3A_77 = vector.load %arg7[%get3A_75, %get3A_76] : memref<64x500xf32, #tpu.memory_space<vmem>>, vector<64x500xf32>
    %dot_general3A_78 = arith.constant dense<0.000000e+00> : vector<256x500xf32>
    %dot_general3A_79 = tpu.matmul %div3A_74, %get3A_77, %dot_general3A_78 {dimension_numbers = #tpu.dot_dimension_numbers<[1], [0], [0], [1], [0, 0, 1, 1], [], []>, transpose_lhs_hint = false} : vector<256x64xf32>, vector<64x500xf32>, vector<256x500xf32> -> vector<256x500xf32>
    %get3A_80 = arith.constant 0 : index
    %get3A_81 = arith.constant 0 : index
    %get3A_82 = vector.load %arg4[%get3A_80, %get3A_81] : memref<256x500xf32, #tpu.memory_space<vmem>>, vector<256x500xf32>
    %get3A_83 = arith.constant 0 : index
    %get3A_84 = arith.constant 0 : index
    %get3A_85 = vector.load %arg5[%get3A_83, %get3A_84] : memref<256x512xf32, #tpu.memory_space<vmem>>, vector<256x512xf32>
    %slice3A_86 = vector.extract_strided_slice %get3A_85 {offsets = [0, 0], sizes = [256, 500], strides = [1, 1]} : vector<256x512xf32> to vector<256x500xf32>
    %mul3A_87 = arith.mulf %get3A_82, %slice3A_86 : vector<256x500xf32>
    %max3A = arith.constant 0.000000e+00 : f32
    %max3A_88 = vector.broadcast %max3A : f32 to vector<256x500xf32>
    %max3A_89 = arith.maximumf %dot_general3A_79, %max3A_88 : vector<256x500xf32>
    %mul3A_90 = arith.mulf %dot_general3A_79, %mul3A_87 : vector<256x500xf32>
    %sub3A = arith.subf %max3A_89, %mul3A_90 : vector<256x500xf32>
    %abs3A = math.absf %dot_general3A_79 : vector<256x500xf32>
    %neg3A_91 = arith.constant 0.000000e+00 : f32
    %neg3A_92 = vector.broadcast %neg3A_91 : f32 to vector<256x500xf32>
    %neg3A_93 = arith.subf %neg3A_92, %abs3A : vector<256x500xf32>
    %exp3A_94 = math.exp %neg3A_93 : vector<256x500xf32>
    %add3A_95 = arith.constant 1.000000e+00 : f32
    %add3A_96 = vector.broadcast %add3A_95 : f32 to vector<256x500xf32>
    %add3A_97 = arith.addf %add3A_96, %exp3A_94 : vector<256x500xf32>
    %log3A = math.log %add3A_97 : vector<256x500xf32>
    %add3A_98 = arith.addf %sub3A, %log3A : vector<256x500xf32>
    %reduce_sum3A_99 = vector.shape_cast %add3A_98 : vector<256x500xf32> to vector<1x256x500xf32>
    %reduce_sum3A_100 = arith.constant dense<0.000000e+00> : vector<1xf32>
    %reduce_sum3A_101 = vector.multi_reduction <add>, %reduce_sum3A_99, %reduce_sum3A_100 [1, 2] : vector<1x256x500xf32> to vector<1xf32>
    %reduce_sum3A_102 = vector.shape_cast %reduce_sum3A_101 : vector<1xf32> to vector<1x1x1xf32>
    %reduce_sum3A_103 = vector.extract %reduce_sum3A_102[0, 0, 0] : f32 from vector<1x1x1xf32>
    %sub3A_104 = arith.subf %get3A_82, %slice3A_86 : vector<256x500xf32>
    %max3A_105 = arith.constant 0.000000e+00 : f32
    %max3A_106 = vector.broadcast %max3A_105 : f32 to vector<256x500xf32>
    %max3A_107 = arith.maximumf %sub3A_104, %max3A_106 : vector<256x500xf32>
    %eq3A_108 = arith.constant -1.000000e+00 : f32
    %eq3A_109 = vector.broadcast %eq3A_108 : f32 to vector<256x500xf32>
    %eq3A_110 = arith.cmpf oeq, %sub3A_104, %eq3A_109 : vector<256x500xf32>
    %jit3A_111 = arith.constant 1.000000e+00 : f32
    %jit3A_112 = arith.constant 0.000000e+00 : f32
    %broadcast_in_dim3A_113 = vector.broadcast %jit3A_111 : f32 to vector<256x500xf32>
    %broadcast_in_dim3A_114 = vector.broadcast %jit3A_112 : f32 to vector<256x500xf32>
    %select_n3A_115 = arith.select %eq3A_110, %broadcast_in_dim3A_113, %broadcast_in_dim3A_114 : vector<256x500xi1>, vector<256x500xf32>
    %reduce_sum3A_116 = arith.constant dense<0.000000e+00> : vector<256xf32>
    %reduce_sum3A_117 = vector.multi_reduction <add>, %max3A_107, %reduce_sum3A_116 [1] : vector<256x500xf32> to vector<256xf32>
    %broadcast_in_dim3A_118 = vector.shape_cast %reduce_sum3A_117 : vector<256xf32> to vector<256x1xf32>
    %reduce_sum3A_119 = arith.constant dense<0.000000e+00> : vector<256xf32>
    %reduce_sum3A_120 = vector.multi_reduction <add>, %select_n3A_115, %reduce_sum3A_119 [1] : vector<256x500xf32> to vector<256xf32>
    %broadcast_in_dim3A_121 = vector.shape_cast %reduce_sum3A_120 : vector<256xf32> to vector<256x1xf32>
    %eq3A_122 = arith.constant 0.000000e+00 : f32
    %eq3A_123 = vector.broadcast %eq3A_122 : f32 to vector<256x1xf32>
    %eq3A_124 = arith.cmpf oeq, %broadcast_in_dim3A_118, %eq3A_123 : vector<256x1xf32>
    %jit3A_125 = arith.constant 1.000000e+00 : f32
    %broadcast_in_dim3A_126 = vector.broadcast %jit3A_125 : f32 to vector<256x1xf32>
    %select_n3A_127 = arith.select %eq3A_124, %broadcast_in_dim3A_126, %broadcast_in_dim3A_118 : vector<256x1xi1>, vector<256x1xf32>
    %eq3A_128 = arith.constant 0.000000e+00 : f32
    %eq3A_129 = vector.broadcast %eq3A_128 : f32 to vector<256x1xf32>
    %eq3A_130 = arith.cmpf oeq, %broadcast_in_dim3A_121, %eq3A_129 : vector<256x1xf32>
    %jit3A_131 = arith.constant 1.000000e+00 : f32
    %broadcast_in_dim3A_132 = vector.broadcast %jit3A_131 : f32 to vector<256x1xf32>
    %select_n3A_133 = arith.select %eq3A_130, %broadcast_in_dim3A_132, %broadcast_in_dim3A_121 : vector<256x1xi1>, vector<256x1xf32>
    %get3A_134 = arith.constant 0 : index
    %get3A_135 = arith.constant 0 : index
    %get3A_136 = vector.load %arg6[%get3A_134, %get3A_135] : memref<500x64xf32, #tpu.memory_space<vmem>>, vector<500x64xf32>
    %dot_general3A_137 = arith.constant dense<0.000000e+00> : vector<256x64xf32>
    %dot_general3A_138 = tpu.matmul %max3A_107, %get3A_136, %dot_general3A_137 {dimension_numbers = #tpu.dot_dimension_numbers<[1], [0], [0], [1], [0, 0, 1, 1], [], []>, transpose_lhs_hint = false} : vector<256x500xf32>, vector<500x64xf32>, vector<256x64xf32> -> vector<256x64xf32>
    %div3A_139 = vector.broadcast %select_n3A_127 : vector<256x1xf32> to vector<256x64xf32>
    %div3A_140 = arith.divf %dot_general3A_138, %div3A_139 : vector<256x64xf32>
    %get3A_141 = arith.constant 0 : index
    %get3A_142 = arith.constant 0 : index
    %get3A_143 = vector.load %arg6[%get3A_141, %get3A_142] : memref<500x64xf32, #tpu.memory_space<vmem>>, vector<500x64xf32>
    %dot_general3A_144 = arith.constant dense<0.000000e+00> : vector<256x64xf32>
    %dot_general3A_145 = tpu.matmul %select_n3A_115, %get3A_143, %dot_general3A_144 {dimension_numbers = #tpu.dot_dimension_numbers<[1], [0], [0], [1], [0, 0, 1, 1], [], []>, transpose_lhs_hint = false} : vector<256x500xf32>, vector<500x64xf32>, vector<256x64xf32> -> vector<256x64xf32>
    %div3A_146 = vector.broadcast %select_n3A_133 : vector<256x1xf32> to vector<256x64xf32>
    %div3A_147 = arith.divf %dot_general3A_145, %div3A_146 : vector<256x64xf32>
    %mul3A_148 = arith.mulf %div3A_74, %div3A_140 : vector<256x64xf32>
    %neg3A_149 = arith.constant 0.000000e+00 : f32
    %neg3A_150 = vector.broadcast %neg3A_149 : f32 to vector<256x64xf32>
    %neg3A_151 = arith.subf %neg3A_150, %mul3A_148 : vector<256x64xf32>
    %exp3A_152 = math.exp %neg3A_151 : vector<256x64xf32>
    %add3A_153 = arith.constant 1.000000e+00 : f32
    %add3A_154 = vector.broadcast %add3A_153 : f32 to vector<256x64xf32>
    %add3A_155 = arith.addf %add3A_154, %exp3A_152 : vector<256x64xf32>
    %div3A_156 = arith.constant 1.000000e+00 : f32
    %div3A_157 = vector.broadcast %div3A_156 : f32 to vector<256x64xf32>
    %div3A_158 = arith.divf %div3A_157, %add3A_155 : vector<256x64xf32>
    %mul3A_159 = arith.mulf %div3A_74, %div3A_147 : vector<256x64xf32>
    %neg3A_160 = arith.constant 0.000000e+00 : f32
    %neg3A_161 = vector.broadcast %neg3A_160 : f32 to vector<256x64xf32>
    %neg3A_162 = arith.subf %neg3A_161, %mul3A_159 : vector<256x64xf32>
    %exp3A_163 = math.exp %neg3A_162 : vector<256x64xf32>
    %add3A_164 = arith.constant 1.000000e+00 : f32
    %add3A_165 = vector.broadcast %add3A_164 : f32 to vector<256x64xf32>
    %add3A_166 = arith.addf %add3A_165, %exp3A_163 : vector<256x64xf32>
    %div3A_167 = arith.constant 1.000000e+00 : f32
    %div3A_168 = vector.broadcast %div3A_167 : f32 to vector<256x64xf32>
    %div3A_169 = arith.divf %div3A_168, %add3A_166 : vector<256x64xf32>
    %mul3A_170 = arith.mulf %div3A_158, %div3A_169 : vector<256x64xf32>
    %reduce_sum3A_171 = vector.shape_cast %mul3A_170 : vector<256x64xf32> to vector<1x256x64xf32>
    %reduce_sum3A_172 = arith.constant dense<0.000000e+00> : vector<1xf32>
    %reduce_sum3A_173 = vector.multi_reduction <add>, %reduce_sum3A_171, %reduce_sum3A_172 [1, 2] : vector<1x256x64xf32> to vector<1xf32>
    %reduce_sum3A_174 = vector.shape_cast %reduce_sum3A_173 : vector<1xf32> to vector<1x1x1xf32>
    %reduce_sum3A_175 = vector.extract %reduce_sum3A_174[0, 0, 0] : f32 from vector<1x1x1xf32>
    %iota3A_176 = tpu.iota {dimensions = array<i32: 1>} : vector<1x128xi32>
    %eq3A_177 = arith.constant 0 : i32
    %eq3A_178 = vector.broadcast %eq3A_177 : i32 to vector<1x128xi32>
    %eq3A_179 = arith.cmpi eq, %iota3A_176, %eq3A_178 : vector<1x128xi32>
    %jit3A_180 = arith.constant 0.000000e+00 : f32
    %broadcast_in_dim3A_181 = vector.broadcast %reduce_sum3A_103 : f32 to vector<1x128xf32>
    %broadcast_in_dim3A_182 = vector.broadcast %jit3A_180 : f32 to vector<1x128xf32>
    %select_n3A_183 = arith.select %eq3A_179, %broadcast_in_dim3A_181, %broadcast_in_dim3A_182 : vector<1x128xi1>, vector<1x128xf32>
    %eq3A_184 = arith.constant 1 : i32
    %eq3A_185 = vector.broadcast %eq3A_184 : i32 to vector<1x128xi32>
    %eq3A_186 = arith.cmpi eq, %iota3A_176, %eq3A_185 : vector<1x128xi32>
    %jit3A_187 = arith.constant 0.000000e+00 : f32
    %broadcast_in_dim3A_188 = vector.broadcast %reduce_sum3A_32 : f32 to vector<1x128xf32>
    %broadcast_in_dim3A_189 = vector.broadcast %jit3A_187 : f32 to vector<1x128xf32>
    %select_n3A_190 = arith.select %eq3A_186, %broadcast_in_dim3A_188, %broadcast_in_dim3A_189 : vector<1x128xi1>, vector<1x128xf32>
    %add3A_191 = arith.addf %select_n3A_183, %select_n3A_190 : vector<1x128xf32>
    %eq3A_192 = arith.constant 2 : i32
    %eq3A_193 = vector.broadcast %eq3A_192 : i32 to vector<1x128xi32>
    %eq3A_194 = arith.cmpi eq, %iota3A_176, %eq3A_193 : vector<1x128xi32>
    %jit3A_195 = arith.constant 0.000000e+00 : f32
    %broadcast_in_dim3A_196 = vector.broadcast %reduce_sum3A_175 : f32 to vector<1x128xf32>
    %broadcast_in_dim3A_197 = vector.broadcast %jit3A_195 : f32 to vector<1x128xf32>
    %select_n3A_198 = arith.select %eq3A_194, %broadcast_in_dim3A_196, %broadcast_in_dim3A_197 : vector<1x128xi1>, vector<1x128xf32>
    %add3A_199 = arith.addf %add3A_191, %select_n3A_198 : vector<1x128xf32>
    %eq3A_200 = arith.constant 0 : i32
    %eq3A_201 = arith.cmpi eq, %arg0, %eq3A_200 : i32
    %convert_element_type3A = arith.extui %eq3A_201 : i1 to i32
    %cond3A = arith.constant 0 : i32
    %cond3A_202 = arith.cmpi ne, %convert_element_type3A, %cond3A : i32
    scf.if %cond3A_202 {
      %broadcast_in_dim3A_210 = arith.constant 0.000000e+00 : f32
      %broadcast_in_dim3A_211 = vector.broadcast %broadcast_in_dim3A_210 : f32 to vector<1x128xf32>
      %swap3A_212 = arith.constant 0 : index
      %swap3A_213 = arith.constant 0 : index
      %swap3A_214 = vector.load %arg11[%swap3A_212, %swap3A_213] : memref<1x128xf32, #tpu.memory_space<vmem>>, vector<1x128xf32>
      tpu.vector_store %arg11[%swap3A_212, %swap3A_213], %broadcast_in_dim3A_211 {strides = array<i32>} : memref<1x128xf32, #tpu.memory_space<vmem>>, vector<1x128xf32>,
    } else {
    }
    %get3A_203 = arith.constant 0 : index
    %get3A_204 = arith.constant 0 : index
    %get3A_205 = vector.load %arg11[%get3A_203, %get3A_204] : memref<1x128xf32, #tpu.memory_space<vmem>>, vector<1x128xf32>
    %add3A_206 = arith.addf %get3A_205, %add3A_199 : vector<1x128xf32>
    %swap3A_207 = arith.constant 0 : index
    %swap3A_208 = arith.constant 0 : index
    %swap3A_209 = vector.load %arg11[%swap3A_207, %swap3A_208] : memref<1x128xf32, #tpu.memory_space<vmem>>, vector<1x128xf32>
    tpu.vector_store %arg11[%swap3A_207, %swap3A_208], %add3A_206 {strides = array<i32>} : memref<1x128xf32, #tpu.memory_space<vmem>>, vector<1x128xf32>,
    return
  }
  func.func @transform_0(%arg0: i32) -> (i32, i32, i32) {
    %c0_i32 = arith.constant 0 : i32
    %c0_i32_0 = arith.constant 0 : i32
    %c0_i32_1 = arith.constant 0 : i32
    return %arg0, %c0_i32, %c0_i32_0 : i32, i32, i32
  }
  func.func @transform_1(%arg0: i32) -> (i32, i32) {
    %c0_i32 = arith.constant 0 : i32
    %c0_i32_0 = arith.constant 0 : i32
    return %arg0, %c0_i32 : i32, i32
  }
  func.func @transform_2(%arg0: i32) -> (i32, i32) {
    %c0_i32 = arith.constant 0 : i32
    %c0_i32_0 = arith.constant 0 : i32
    return %arg0, %c0_i32 : i32, i32
  }
  func.func @transform_3(%arg0: i32) -> (i32, i32) {
    %c0_i32 = arith.constant 0 : i32
    %c0_i32_0 = arith.constant 0 : i32
    return %arg0, %c0_i32 : i32, i32
  }
  func.func @transform_4(%arg0: i32) -> (i32, i32) {
    %c0_i32 = arith.constant 0 : i32
    %c0_i32_0 = arith.constant 0 : i32
    return %arg0, %c0_i32 : i32, i32
  }
  func.func @transform_5(%arg0: i32) -> (i32, i32) {
    %c0_i32 = arith.constant 0 : i32
    %c0_i32_0 = arith.constant 0 : i32
    %c0_i32_1 = arith.constant 0 : i32
    return %c0_i32, %c0_i32_0 : i32, i32
  }
  func.func @transform_6(%arg0: i32) -> (i32, i32) {
    %c0_i32 = arith.constant 0 : i32
    %c0_i32_0 = arith.constant 0 : i32
    %c0_i32_1 = arith.constant 0 : i32
    return %c0_i32, %c0_i32_0 : i32, i32
  }
  func.func @transform_7(%arg0: i32) -> (i32, i32) {
    %c0_i32 = arith.constant 0 : i32
    %c0_i32_0 = arith.constant 0 : i32
    %c0_i32_1 = arith.constant 0 : i32
    return %c0_i32, %c0_i32_0 : i32, i32
  }
  func.func @transform_8(%arg0: i32) -> (i32, i32) {
    %c0_i32 = arith.constant 0 : i32
    %c0_i32_0 = arith.constant 0 : i32
    %c0_i32_1 = arith.constant 0 : i32
    return %c0_i32, %c0_i32_0 : i32, i32
  }
  func.func @transform_9(%arg0: i32) -> (i32, i32) {
    %c0_i32 = arith.constant 0 : i32
    %c0_i32_0 = arith.constant 0 : i32
    return %arg0, %c0_i32 : i32, i32
  }
  func.func @transform_10(%arg0: i32) -> (i32, i32) {
    %c0_i32 = arith.constant 0 : i32
    %c0_i32_0 = arith.constant 0 : i32
    %c0_i32_1 = arith.constant 0 : i32
    return %c0_i32, %c0_i32_0 : i32, i32
  }
}

</mosaic_0001>

<sc_bundles>
// kernel: kernel.4.cloned.1.call-start
scs
__scs_entry_jumppad:
0x0: {  	(pc) =	sbr.rel $0x88, $3  }
0x1: {  	(tag) =	ssettag $0x0;
	lr =	simm.s32 $0x1  }
0x2: {  	[smem:$0x3F99] =	sst lr;
	_ =	strace $0xD0000000  }
0x3: {  	_ = 	snop  }
0x4: {  	_ = 	snop  }
0x5: {  	_ = 	snop  }
0x6: {  	_ = 	snop  }
0x7: {  	_ = 	snop  }
__scs_overlays_trampoline_lowered:
0x8: {  	[smem:$0x3FA8] =	sst s0  }
0x9: {  	[smem:$0x3FA9] =	sst s1  }
0xa: {  	[smem:$0x3FAA] =	sst s2  }
0xb: {  	[smem:$0x3FAB] =	sst s3  }
0xc: {  	[smem:$0x3FAC] =	sst s4  }
0xd: {  	[smem:$0x3FAD] =	sst s5  }
0xe: {  	[smem:$0x3FAE] =	sst s6  }
0xf: {  	[smem:$0x3FAF] =	sst s7  }
0x10: {  	[smem:$0x3FB0] =	sst s8  }
0x11: {  	[smem:$0x3FB1] =	sst s9;
	s0 =	simm.s32 @!p0 $0x0  }
0x12: {  	s1 =	sld [smem:$0x3F97];
	s0 =	simm.s32 @p0 $0x1  }
0x13: {  	[smem:$0x3FB2] =	sst s0;
	s0 =	simm.s32 @!p1 $0x0  }
0x14: {  	s2 =	sld [smem:$0x3F96];
	s0 =	simm.s32 @p1 $0x1  }
0x15: {  	[smem:$0x3FB3] =	sst s0;
	s0 =	simm.s32 @!p2 $0x0  }
0x16: {  	s3 =	sld [smem:$0x3FDB];
	s0 =	simm.s32 @p2 $0x1  }
0x17: {  	s4 =	simm.s32 $0x1BF5;
	[smem:$0x3FB5] =	sst s0  }
0x18: {  	s0 =	sld [smem:$0x3F98];
	_ =	swait.ge [sflag:s4], $0x0  }
0x19: {  	s7 =	sld [smem:$0x3F99]  }
0x1a: {  	s8 =	sadd.s32 $0xFFFFE003, lr  }
0x1b: {  	s9 =	sadd.s32 $0xFFFFFEF7, lr;
	s5 =	simm.s32 $0xFFFFFFFF;
	p2 =	slt.u32 s8, $0xFFFFF086  }
0x1c: {  	p1 =	slt.u32 s9, $0xF7A;
	s5 =	simm.s32 @!p2 $0x0  }
0x1d: {  	s5 =	simm.s32 @p1 $0x1;
	p0 =	seq.s32 s7, s2  }
0x1e: {  	s7 =	smul.u32 @!p0 $0xF7A, s2;
	p2 =	seq.s32 @!p0 s5, $0x0  }
0x1f: {  	s9 =	smul.u32 $0xF7A, s1;
	s8 =	simm.s32 @!p0 $0x1BF5;
	p2 =	por !p2, p0  }
0x20: {  	[sflag:s8] =	ssyncset.s32 @!p0 $0xFFFFF086;
	s6 =	sadd.s32 @!p0 s3, s7;
	s7 =	simm.s32 @!p0 $0x108  }
0x21: {  	s3 =	sadd.s32 s3, s9;
	s6 =	sadd.s32 @!p0 $0x88, s6;
	s7 =	simm.s32 @p2 $0x1082  }
0x22: {  	[simem:s7], [sflag:s8] =	dma.local @!p0 [hbm:s6], $0xF7A  }
0x23: {  	s9 =	sor.u32 $0xD0000000, s2;
	s6 =	simm.s32 $0x108;
	_ =	swait.ge @!p0 [sflag:s8], $0x0  }
0x24: {  	s3 =	sadd.s32 $0x88, s3;
	s6 =	simm.s32 @!p1 $0x1082;
	[sflag:s4] =	ssyncset.s32 $0xFFFFF086  }
0x25: {  	[simem:s6], [sflag:s4] =	dma.local [hbm:s3], $0xF7A  }
0x26: {  	[smem:$0x3F99] =	sst s1;
	(tag) =	ssettag s2;
	_ =	strace s9  }
0x27: {  	s1 =	sld [smem:$0x3FA9]  }
0x28: {  	s2 =	sld [smem:$0x3FAA]  }
0x29: {  	s4 =	sld [smem:$0x3FAC]  }
0x2a: {  	p0 =	seq.s32 s5, $0x0;
	s5 =	sld [smem:$0x3FAD]  }
0x2b: {  	s6 =	sld [smem:$0x3FAE]  }
0x2c: {  	s7 =	sld [smem:$0x3FAF]  }
0x2d: {  	s3 =	simm.s32 $0x108;
	s8 =	sld [smem:$0x3FB0]  }
0x2e: {  	s3 =	simm.s32 @!p0 $0x1082;
	s9 =	sld [smem:$0x3FB1]  }
0x2f: {  	lr =	sadd.s32 s0, s3;
	s0 =	sld [smem:$0x3FA8]  }
0x30: {  	s3 =	sld [smem:$0x3FAB]  }
0x31: {  	[smem:$0x3FB4] =	sst s10  }
0x32: {  	s10 =	sld [smem:$0x3FB2];
	_ =	sdelay $0x3  }
0x33: {  	p0 =	seq.s32 s10, $0x1;
	s10 =	sld [smem:$0x3FB4];
	_ =	sdelay $0x3  }
0x34: {  	[smem:$0x3FB4] =	sst s10  }
0x35: {  	s10 =	sld [smem:$0x3FB3];
	_ =	sdelay $0x3  }
0x36: {  	p1 =	seq.s32 s10, $0x1;
	s10 =	sld [smem:$0x3FB4];
	_ =	sdelay $0x3  }
0x37: {  	[smem:$0x3FB4] =	sst s10  }
0x38: {  	s10 =	sld [smem:$0x3FB5]  }
0x39: {  	_ = 	snop;
	(pc) =	sbr.ind lr, $3  }
0x3a: {  	_ = 	snop  }
0x3b: {  	_ = 	snop  }
0x3c: {  	p2 =	seq.s32 s10, $0x1;
	s10 =	sld [smem:$0x3FB4]  }
0x3d: {  	_ =	shalt  }
0x3e: {  	_ =	shalt  }
0x3f: {  	_ =	shalt  }
0x40: {  	_ =	shalt  }
0x41: {  	_ =	shalt  }
0x42: {  	_ =	shalt  }
0x43: {  	_ =	shalt  }
0x44: {  	_ =	shalt  }
0x45: {  	_ =	shalt  }
0x46: {  	_ =	shalt  }
0x47: {  	_ =	shalt  }
0x48: {  	_ =	shalt  }
0x49: {  	_ =	shalt  }
0x4a: {  	_ =	shalt  }
0x4b: {  	_ =	shalt  }
0x4c: {  	_ =	shalt  }
0x4d: {  	_ =	shalt  }
0x4e: {  	_ =	shalt  }
0x4f: {  	_ =	shalt  }
0x50: {  	_ =	shalt  }
0x51: {  	_ =	shalt  }
0x52: {  	_ =	shalt  }
0x53: {  	_ =	shalt  }
0x54: {  	_ =	shalt  }
0x55: {  	_ =	shalt  }
0x56: {  	_ =	shalt  }
0x57: {  	_ =	shalt  }
0x58: {  	_ =	shalt  }
0x59: {  	_ =	shalt  }
0x5a: {  	_ =	shalt  }
0x5b: {  	_ =	shalt  }
0x5c: {  	_ =	shalt  }
0x5d: {  	_ =	shalt  }
0x5e: {  	_ =	shalt  }
0x5f: {  	_ =	shalt  }
0x60: {  	_ =	shalt  }
0x61: {  	_ =	shalt  }
0x62: {  	_ =	shalt  }
0x63: {  	_ =	shalt  }
0x64: {  	_ =	shalt  }
0x65: {  	_ =	shalt  }
0x66: {  	_ =	shalt  }
0x67: {  	_ =	shalt  }
0x68: {  	_ =	shalt  }
0x69: {  	_ =	shalt  }
0x6a: {  	_ =	shalt  }
0x6b: {  	_ =	shalt  }
0x6c: {  	_ =	shalt  }
0x6d: {  	_ =	shalt  }
0x6e: {  	_ =	shalt  }
0x6f: {  	_ =	shalt  }
0x70: {  	_ =	shalt  }
0x71: {  	_ =	shalt  }
0x72: {  	_ =	shalt  }
0x73: {  	_ =	shalt  }
0x74: {  	_ =	shalt  }
0x75: {  	_ =	shalt  }
0x76: {  	_ =	shalt  }
0x77: {  	_ =	shalt  }
0x78: {  	_ =	shalt  }
0x79: {  	_ =	shalt  }
0x7a: {  	_ =	shalt  }
0x7b: {  	_ =	shalt  }
0x7c: {  	_ =	shalt  }
0x7d: {  	_ =	shalt  }
0x7e: {  	_ =	shalt  }
0x7f: {  	_ =	shalt  }
0x80: {  	_ =	shalt  }
0x81: {  	_ =	shalt  }
0x82: {  	_ =	shalt  }
0x83: {  	_ =	shalt  }
0x84: {  	_ =	shalt  }
0x85: {  	_ =	shalt  }
0x86: {  	_ =	shalt  }
0x87: {  	_ =	shalt  }
.Lfunc_end0:
.L_simem_size_0:
called_computation_lowered:
.L_overlay_start_0:
0x88: {  	s2 =	sld [smem:$0x3FD9]  }
0x89: {  	s3 =	sld [smem:$0x3FFE];
	_ =	sdelay $0x1  }
0x8a: {  	s1 =	srdreg.scid  }
0x8b: {  	s0 =	sand.u32 $0x1, s1  }
0x8c: {  	s14 =	sshll.u32 s0, $0xA;
	s2 =	sadd.s32 s3, s2  }
0x8d: {  	s2 =	sadd.s32 s2, s14  }
0x8e: {  	[smem:$0x3FC0] =	sst s2  }
0x8f: {  	_ = 	snop  }
0x90: {  	s2 =	sld [smem:$0x3FD0];
	_ =	sdelay $0x2  }
0x91: {  	s4 =	simm.s32 $0xA;
	s5 =	simm.s32 $0x10;
	s15 =	sld [smem:$0x3FC7]  }
0x92: {  	[smem:s5], [sflag:s4] =	dma.local [hbm:s2], $0x1  }
0x93: {  	_ =	swait.eq [sflag:s4], $0x1  }
0x94: {  	[sflag:s4] =	ssyncset.done $0x0  }
0x95: {  	[sflag:s4] =	ssyncadd.s32 $0xFFFFFFFF  }
0x96: {  	s16 =	sld [smem:$0x10];
	(tm) =	ssettm $0x1  }
0x97: {  	s17 =	sld [smem:$0x3FFB];
	_ =	sdelay $0x3  }
0x98: {  	_ =	strace s17  }
0x99: {  	s4 =	sld [smem:$0x3FFC];
	_ =	sdelay $0x3  }
0x9a: {  	_ =	strace s4  }
0x9b: {  	s4 =	sld [smem:$0x3FFD];
	_ =	sdelay $0x3  }
0x9c: {  	_ =	strace s4  }
0x9d: {  	_ =	strace $0x8FFFFFFF  }
0x9e: {  	s18 =	sld [smem:$0x3FDB];
	_ =	sdelay $0x1  }
0x9f: {  	s19 =	simm.s32 $_scs_section_size  }
0xa0: {  	s6 =	simm.s32 $_size__tile_overlayer_lowered;
	s7 =	simm.s32 $_tile_overlayer_lowered  }
0xa1: {  	s22 =	simm.s32 $0x1BFF;
	s21 =	sshll.u32 s7, $0x1;
	s4 =	sadd.s32 s19, s18  }
0xa2: {  	s8 =	simm.s32 $0x0;
	s20 =	sshll.u32 s6, $0x1;
	s6 =	sadd.s32 s21, s4  }
0xa3: {  	[timem:s8], [sflag:s22] =	dma.local [hbm:s6], s20  }
0xa4: {  	_ =	swait.ge [sflag:s22], s20  }
0xa5: {  	s5 =	ssub.s32 $0x0, s20;
	[sflag:s22] =	ssyncset.done $0x0  }
0xa6: {  	[sflag:s22] =	ssyncadd.s32 s5;
	_ =	sdelay $0x1  }
0xa7: {  	s23 =	simm.s32 $0x1B8B  }
0xa8: {  	_ =	swait.ge [sflag:s23], $0x1  }
0xa9: {  	[sflag:s23] =	ssyncset.done $0x0  }
0xaa: {  	s25 =	simm.s32 $0x1B8E;
	s24 =	sld [smem:$0x3FFE];
	[sflag:s23] =	ssyncadd.s32 $0xFFFFFFFF  }
0xab: {  	s26 =	simm.s32 $execute0_lowered;
	[smem:$0x3FD2] =	sst s25  }
0xac: {  	s6 =	sshll.u32 s26, $0x1;
	_ =	strace $0x80000046;
	[dreg:$0x1] =	wrdreg $0xFFFFFFFF  }
0xad: {  	s28 =	simm.s32 $_size_execute0_lowered;
	s4 =	sadd.s32 s4, s6;
	[dreg:$0x0] =	wrdreg $0x0  }
0xae: {  	s6 =	sshll.u32 s28, $0x1;
	[dreg:$0x2] =	wrdreg s4  }
0xaf: {  	[dreg:$0x3] =	wrdreg s6  }
0xb0: {  	[dreg:$0x4] =	wrdreg $0xC0  }
0xb1: {  	_ =	task [dreg:s8], $0x5FFFF  }
0xb2: {  	[dreg:$0x1] =	wrdreg $0xFFFFFFFF  }
0xb3: {  	[dreg:$0x0] =	wrdreg $0x60  }
0xb4: {  	[dreg:$0x2] =	wrdreg s16  }
0xb5: {  	[dreg:$0x3] =	wrdreg s24  }
0xb6: {  	[dreg:$0x4] =	wrdreg s15  }
0xb7: {  	[dreg:$0x5] =	wrdreg $0x137800  }
0xb8: {  	[dreg:$0x6] =	wrdreg $0x9  }
0xb9: {  	_ =	task.clear_ibuf [dreg:s8], $0x7FFFF;
	_ =	strace $0x90000046  }
0xba: {  	s29 =	simm.s32 $0x9;
	_ =	strace $0x80000048  }
0xbb: {  	_ =	swait.ge [sflag:s29], $0x1  }
0xbc: {  	[sflag:s29] =	ssyncadd.s32 $0xFFFFFFFF  }
0xbd: {  	_ =	strace $0x90000048  }
0xbe: {  	_ =	sfence  }
0xbf: {  	s30 =	sld [smem:$0x0];
	_ =	sdelay $0x2  }
0xc0: {  	s31 =	sshll.u32 s1, $0xD;
	s1 =	sshrl.u32 s1, $0x2  }
0xc1: {  	s3 =	sand.u32 $0x4000, s31;
	s1 =	sadd.s32 s1, s30  }
0xc2: {  	s0 =	sor.u32 s3, s0;
	s1 =	sshll.u32 s1, $0x11  }
0xc3: {  	s0 =	sor.u32 s1, s0  }
0xc4: {  	s0 =	sadd.s32 $0x8F2B, s0  }
0xc5: {  	[sflag:s0] =	ssyncadd.remote.s32 $0x1  }
0xc6: {  	_ =	sfence.sel $0xFFFF  }
0xc7: {  	[dreg:$0x0] =	wrdreg $0xFFFFFFFF;
	(pc) =	sbr.abs _section_cstart, $3  }
0xc8: {  	[dreg:$0x1] =	wrdreg $0xFFFFFFFF  }
0xc9: {  	_ =	task.clear_ibuf [dreg:s8], $0x2FFFF;
	_ =	strace $0x9FFFFFFF  }
0xca: {  	(tm) =	ssettm $0x7FFFFFFF  }
0xcb: {  	_ =	shalt  }
tec
execute0_lowered:
.L_overlay_start_1:
0x0: {  	(tag) =	ssettag $0x1  }
0x1: {  	s1 =	rddreg [dreg:$0x0]  }
0x2: {  	s6 =	rddreg [dreg:$0x1]  }
0x3: {  	s5 =	rddreg [dreg:$0x2]  }
0x4: {  	s3 =	srdreg.scid;
	s0 =	stileid.u32  }
0x5: {  	s2 =	rddreg [dreg:$0x3];
	s28 =	simm.s32 $0x460;
	s29 =	simm.s32 $0x540  }
0x6: {  	s30 =	simm.s32 $0x620;
	s31 =	simm.s32 $0x3;
	s7 =	sand.u32 $0x1, s3  }
0x7: {  	s4 =	sshll.u32 s0, $0x1;
	s3 =	simm.s32 $0x0;
	s9 =	sadd.s32 $0x13400, s6  }
0x8: {  	s20 =	sadd.s32 $0x2B400, s6;
	s11 =	sshll.u32 s0, $0xB;
	s21 =	sshll.u32 s0, $0x6  }
0x9: {  	s8 =	sor.u32 s7, s4;
	[smem:$0x7FF] =	sst s3;
	s1 =	sadd.s32 s1, s11  }
0xa: {  	s22 =	sor.u32 $0x1C05, s21;
	s7 =	ssub.s32 $0x2, s7;
	s11 =	simm.s32 $0xF780  }
0xb: {  	s4 =	smul.u32 $0xE0, s8;
	_ =	strace $0x80000047;
	[dreg:$0x5] =	wrdreg s9  }
0xc: {  	s12 =	sshll.u32 s8, $0x9;
	[dreg:$0x6] =	wrdreg s1;
	s23 =	smul.u32 $0x7000, s8  }
0xd: {  	[dreg:$0x7] =	wrdreg s22;
	s25 =	smul.u32 $0x38000, s8;
	s26 =	sshll.u32 s8, $0x2  }
0xe: {  	s8 =	sshll.u32 s8, $0xB;
	s17 =	sshrl.u32 s7, $0x1;
	s12 =	sadd.s32 s12, s6  }
0xf: {  	s1 =	sadd.s32 s5, s26;
	s8 =	sadd.s32 s8, s6;
	s7 =	ssub.s32 s7, s17  }
0x10: {  	s26 =	simm.s32 $0x20;
	s17 =	simm.s32 $0x12780;
	s10 =	sadd.s32 s4, s6  }
0x11: {  	s4 =	sadd.s32 $0x1800, s6;
	s5 =	sadd.s32 s20, s23;
	[dreg:$0x9] =	wrdreg s1  }
0x12: {  	s23 =	sadd.s32 $0x17400, s12;
	s6 =	sadd.s32 $0x1900, s6;
	s7 =	smax.u32 s7, $0x1  }
0x13: {  	[dreg:$0x14] =	wrdreg s26;
	s26 =	simm.s32 $0x380;
	s1 =	simm.s32 $0x4  }
0x14: {  	s24 =	sadd.s32 $0x11800, s10;
	s10 =	sshrl.u32 s25, $0x3;
	[dreg:$0x11] =	wrdreg s23  }
0x15: {  	s13 =	sadd.s32 $0xE00, s5;
	s23 =	simm.s32 $0x2;
	[dreg:$0x8] =	wrdreg s24  }
0x16: {  	s9 =	sadd.s32 s20, s10;
	[dreg:$0xa] =	wrdreg s13;
	s24 =	sadd.s32 $0x1B400, s8  }
0x17: {  	s20 =	sshll.u32 s0, $0xE;
	s14 =	sadd.s32 $0x1C00, s9;
	[dreg:$0x12] =	wrdreg s24  }
0x18: {  	s8 =	simm.s32 $0x5;
	s15 =	sadd.s32 $0x2A00, s9;
	[dreg:$0xb] =	wrdreg s14  }
0x19: {  	s10 =	simm.s32 $0xE780;
	s16 =	sadd.s32 $0x3800, s9;
	[dreg:$0xc] =	wrdreg s15  }
0x1a: {  	s18 =	sadd.s32 $0x4600, s9;
	s19 =	sadd.s32 $0x5400, s9;
	[dreg:$0xd] =	wrdreg s16  }
0x1b: {  	s21 =	sadd.s32 $0x6200, s9;
	s22 =	sadd.s32 s20, s2;
	[dreg:$0xe] =	wrdreg s18  }
0x1c: {  	s9 =	simm.s32 $0xE700;
	s20 =	simm.s32 $0x700;
	[dreg:$0xf] =	wrdreg s19  }
0x1d: {  	s24 =	simm.s32 $0x1C0;
	[dreg:$0x10] =	wrdreg s21;
	s25 =	sshrl.u32 s22, $0x3  }
0x1e: {  	v2 =	vlaneseq.u32;
	s14 =	simm.s32 $0x10F80;
	s15 =	simm.s32 $0x11780;
	s16 =	simm.s32 $0x11F80  }
0x1f: {  	vm0 =	vmmov $0xffff;
	v1 =	vshrl.u32 v2, $0x3;
	s18 =	simm.s32 $0x12F80;
	s19 =	simm.s32 $0xE0;
	s21 =	simm.s32 $0x7700  }
0x20: {  	v0 =	vand.u32 $0x7, v2;
	v2 =	vor.u32 $0x8, v2;
	v1 =	vmul.u32 $0x8, v1;
	s22 =	simm.s32 $0x1;
	[dreg:$0x13] =	wrdreg s25;
	s25 =	simm.s32 $0x2A0  }
.LBB2_1:
0x21: {  	s0 =	rddreg [dreg:$0x6]  }
0x22: {  	s12 =	rddreg [dreg:$0x7]  }
0x23: {  	s13 =	rddreg [dreg:$0x13]  }
0x24: {  	[spmem:s13], [sflag:s12] =	dma.local [hbm:s0], $0x800  }
0x25: {  	_ =	swait.ge [sflag:s8], $0x800  }
0x26: {  	[sflag:s8] =	ssyncset.done $0x0  }
0x27: {  	s12 =	rddreg [dreg:$0x8];
	[sflag:s8] =	ssyncadd.s32 $0xFFFFF800  }
0x28: {  	[tilespmem:s3], [sflag:$0x5] =	stream.linear.gather [hbm4b:s12+s3], $0x700, $0x38;
	[tilespmem:$0x17780] =	vst v63  }
0x29: {  	_ =	swait.ge [sflag:s8], $0x700  }
0x2a: {  	[sflag:s8] =	ssyncset.done $0x0  }
0x2b: {  	s13 =	rddreg [dreg:$0x9];
	[sflag:s8] =	ssyncadd.s32 $0xFFFFF900  }
0x2c: {  	[tilespmem:s9], [sflag:$0x5] =	stream.linear.gather [hbm4b:s13+s3], $0x20, $0x38;
	[tilespmem:$0x17780] =	vst v63  }
0x2d: {  	_ =	swait.ge [sflag:s8], $0x20  }
0x2e: {  	s12 =	rddreg [dreg:$0x5];
	[sflag:s8] =	ssyncset.done $0x0  }
0x2f: {  	s13 =	rddreg [dreg:$0x14];
	[sflag:s8] =	ssyncadd.s32 $0xFFFFFFE0  }
0x30: {  	[tilespmem:s10], [sflag:$0x3] =	stream.indirect.gather [hbm4b:s12+s13], $0x80, s9, s13, $0xb8;
	[tilespmem:$0x17780] =	vst v63  }
0x31: {  	v3 =	vld [tilespmem:$0xE700];
	_ =	sdelay $0x4  }
0x32: {  	v4 =	vshll.u32 v3, $0x2  }
0x33: {  	v3 =	vand.u32 $0x7, v3;
	v4 =	vand.u32 $0xFFFFFFE0, v4  }
0x34: {  	v3 =	vor.u32 v3, v4  }
0x35: {  	v4 =	vperm.xlane v3, v0;
	_ =	sdelay $0x1  }
0x36: {  	v4 =	vadd.s32 v1, v4;
	_ =	sdelay $0x1  }
0x37: {  	v3 =	vperm.xlane v3, v2;
	_ =	sdelay $0x1  }
0x38: {  	v3 =	vadd.s32 v1, v3  }
0x39: {  	[tilespmem:s11], [sflag:$0x4] =	stream.indirect_vreg.gather [hbm4b:s4+s3], $0x80, v4, vm0, $0xb8;
	[tilespmem:$0x17780] =	vst v63  }
0x3a: {  	s13 =	simm.s32 $0xFF80  }
0x3b: {  	[tilespmem:s13], [sflag:$0x4] =	stream.indirect_vreg.gather [hbm4b:s6+s3], $0x80, v4, vm0, $0xb8;
	[tilespmem:$0x17780] =	vst v63  }
0x3c: {  	s12 =	simm.s32 $0x10780  }
0x3d: {  	[tilespmem:s12], [sflag:$0x4] =	stream.indirect_vreg.gather [hbm4b:s4+s3], $0x80, v3, vm0, $0xb8;
	[tilespmem:$0x17780] =	vst v63  }
0x3e: {  	_ = 	snop  }
0x3f: {  	[tilespmem:s14], [sflag:$0x4] =	stream.indirect_vreg.gather [hbm4b:s6+s3], $0x80, v3, vm0, $0xb8;
	[tilespmem:$0x17780] =	vst v63  }
0x40: {  	v3 =	vld [tilespmem:$0xE710];
	_ =	sdelay $0x4  }
0x41: {  	v63 =	vshll.u32 v3, $0x2  }
0x42: {  	v3 =	vand.u32 $0x7, v3;
	v4 =	vand.u32 $0xFFFFFFE0, v63  }
0x43: {  	v3 =	vor.u32 v3, v4  }
0x44: {  	v4 =	vperm.xlane v3, v0;
	_ =	sdelay $0x1  }
0x45: {  	v4 =	vadd.s32 v1, v4;
	_ =	sdelay $0x1  }
0x46: {  	v3 =	vperm.xlane v3, v2;
	_ =	sdelay $0x1  }
0x47: {  	v3 =	vadd.s32 v1, v3  }
0x48: {  	[tilespmem:s15], [sflag:$0x4] =	stream.indirect_vreg.gather [hbm4b:s4+s3], $0x80, v4, vm0, $0xb8;
	[tilespmem:$0x17780] =	vst v63  }
0x49: {  	_ = 	snop  }
0x4a: {  	[tilespmem:s16], [sflag:$0x4] =	stream.indirect_vreg.gather [hbm4b:s6+s3], $0x80, v4, vm0, $0xb8;
	[tilespmem:$0x17780] =	vst v63  }
0x4b: {  	_ = 	snop  }
0x4c: {  	[tilespmem:s17], [sflag:$0x4] =	stream.indirect_vreg.gather [hbm4b:s4+s3], $0x80, v3, vm0, $0xb8;
	[tilespmem:$0x17780] =	vst v63  }
0x4d: {  	_ = 	snop  }
0x4e: {  	[tilespmem:s18], [sflag:$0x4] =	stream.indirect_vreg.gather [hbm4b:s6+s3], $0x80, v3, vm0, $0xb8;
	[tilespmem:$0x17780] =	vst v63  }
0x4f: {  	[bflag:$0x0] =	sbarrier.arrive $0xFFFF  }
0x50: {  	[tilespmem:s20], [sflag:$0x1] =	stream.indirect.gather [spmem:s2], $0x80, s3, s19, $0xb8;
	[tilespmem:$0x17780] =	vst v63  }
0x51: {  	_ = 	snop  }
0x52: {  	[tilespmem:s21], [sflag:$0x1] =	stream.indirect.gather [spmem:s2], $0x80, s19, s19, $0xb8;
	[tilespmem:$0x17780] =	vst v63  }
0x53: {  	_ =	swait.ge [sflag:s22], $0x7000  }
0x54: {  	[sflag:s22] =	ssyncset.done $0x0  }
0x55: {  	[sflag:s22] =	ssyncadd.s32 $0xFFFF9000  }
0x56: {  	[hbm4b:s5+s3] =	stream.linear.scatter [tilespmem:s20], [sflag:$0x2], $0x7000, $0x38;
	[tilespmem:$0x17780] =	vst v63  }
0x57: {  	_ =	swait.ge [sflag:s23], $0x7000  }
0x58: {  	[sflag:s23] =	ssyncset.done $0x0  }
0x59: {  	[sflag:s23] =	ssyncadd.s32 $0xFFFF9000  }
0x5a: {  	[tilespmem:s20], [sflag:$0x1] =	stream.indirect.gather [spmem:s2], $0x80, s24, s19, $0xb8;
	[tilespmem:$0x17780] =	vst v63  }
0x5b: {  	_ =	swait.ge [sflag:s22], $0x7000  }
0x5c: {  	[sflag:s22] =	ssyncset.done $0x0  }
0x5d: {  	s13 =	rddreg [dreg:$0xa];
	[sflag:s22] =	ssyncadd.s32 $0xFFFF9000  }
0x5e: {  	[hbm4b:s13+s3] =	stream.linear.scatter [tilespmem:s21], [sflag:$0x2], $0x7000, $0x38;
	[tilespmem:$0x17780] =	vst v63  }
0x5f: {  	_ =	swait.ge [sflag:s23], $0x7000  }
0x60: {  	[sflag:s23] =	ssyncset.done $0x0  }
0x61: {  	[sflag:s23] =	ssyncadd.s32 $0xFFFF9000  }
0x62: {  	[tilespmem:s21], [sflag:$0x1] =	stream.indirect.gather [spmem:s2], $0x80, s25, s19, $0xb8;
	[tilespmem:$0x17780] =	vst v63  }
0x63: {  	_ =	swait.ge [sflag:s22], $0x7000  }
0x64: {  	[sflag:s22] =	ssyncset.done $0x0  }
0x65: {  	s12 =	rddreg [dreg:$0xb];
	[sflag:s22] =	ssyncadd.s32 $0xFFFF9000  }
0x66: {  	[hbm4b:s12+s3] =	stream.linear.scatter [tilespmem:s20], [sflag:$0x2], $0x7000, $0x38;
	[tilespmem:$0x17780] =	vst v63  }
0x67: {  	_ =	swait.ge [sflag:s23], $0x7000  }
0x68: {  	[sflag:s23] =	ssyncset.done $0x0  }
0x69: {  	[sflag:s23] =	ssyncadd.s32 $0xFFFF9000  }
0x6a: {  	[tilespmem:s20], [sflag:$0x1] =	stream.indirect.gather [spmem:s2], $0x80, s26, s19, $0xb8;
	[tilespmem:$0x17780] =	vst v63  }
0x6b: {  	_ =	swait.ge [sflag:s22], $0x7000  }
0x6c: {  	[sflag:s22] =	ssyncset.done $0x0  }
0x6d: {  	s13 =	rddreg [dreg:$0xc];
	[sflag:s22] =	ssyncadd.s32 $0xFFFF9000  }
0x6e: {  	[hbm4b:s13+s3] =	stream.linear.scatter [tilespmem:s21], [sflag:$0x2], $0x7000, $0x38;
	[tilespmem:$0x17780] =	vst v63  }
0x6f: {  	_ =	swait.ge [sflag:s23], $0x7000  }
0x70: {  	[sflag:s23] =	ssyncset.done $0x0  }
0x71: {  	[sflag:s23] =	ssyncadd.s32 $0xFFFF9000  }
0x72: {  	[tilespmem:s21], [sflag:$0x1] =	stream.indirect.gather [spmem:s2], $0x80, s28, s19, $0xb8;
	[tilespmem:$0x17780] =	vst v63  }
0x73: {  	_ =	swait.ge [sflag:s22], $0x7000  }
0x74: {  	[sflag:s22] =	ssyncset.done $0x0  }
0x75: {  	s12 =	rddreg [dreg:$0xd];
	[sflag:s22] =	ssyncadd.s32 $0xFFFF9000  }
0x76: {  	[hbm4b:s12+s3] =	stream.linear.scatter [tilespmem:s20], [sflag:$0x2], $0x7000, $0x38;
	[tilespmem:$0x17780] =	vst v63  }
0x77: {  	_ =	swait.ge [sflag:s23], $0x7000  }
0x78: {  	[sflag:s23] =	ssyncset.done $0x0  }
0x79: {  	[sflag:s23] =	ssyncadd.s32 $0xFFFF9000  }
0x7a: {  	[tilespmem:s20], [sflag:$0x1] =	stream.indirect.gather [spmem:s2], $0x80, s29, s19, $0xb8;
	[tilespmem:$0x17780] =	vst v63  }
0x7b: {  	_ =	swait.ge [sflag:s22], $0x7000  }
0x7c: {  	[sflag:s22] =	ssyncset.done $0x0  }
0x7d: {  	s13 =	rddreg [dreg:$0xe];
	[sflag:s22] =	ssyncadd.s32 $0xFFFF9000  }
0x7e: {  	[hbm4b:s13+s3] =	stream.linear.scatter [tilespmem:s21], [sflag:$0x2], $0x7000, $0x38;
	[tilespmem:$0x17780] =	vst v63  }
0x7f: {  	_ =	swait.ge [sflag:s23], $0x7000  }
0x80: {  	[sflag:s23] =	ssyncset.done $0x0  }
0x81: {  	[sflag:s23] =	ssyncadd.s32 $0xFFFF9000  }
0x82: {  	[tilespmem:s21], [sflag:$0x1] =	stream.indirect.gather [spmem:s2], $0x80, s30, s19, $0xb8;
	[tilespmem:$0x17780] =	vst v63  }
0x83: {  	_ =	swait.ge [sflag:s22], $0x7000  }
0x84: {  	[sflag:s22] =	ssyncset.done $0x0  }
0x85: {  	s12 =	rddreg [dreg:$0xf];
	[sflag:s22] =	ssyncadd.s32 $0xFFFF9000  }
0x86: {  	[hbm4b:s12+s3] =	stream.linear.scatter [tilespmem:s20], [sflag:$0x2], $0x7000, $0x38;
	[tilespmem:$0x17780] =	vst v63  }
0x87: {  	_ =	swait.ge [sflag:s22], $0x7000  }
0x88: {  	[sflag:s22] =	ssyncset.done $0x0  }
0x89: {  	s13 =	rddreg [dreg:$0x10];
	[sflag:s22] =	ssyncadd.s32 $0xFFFF9000  }
0x8a: {  	[hbm4b:s13+s3] =	stream.linear.scatter [tilespmem:s21], [sflag:$0x2], $0x7000, $0x38;
	[tilespmem:$0x17780] =	vst v63  }
0x8b: {  	_ =	swait.ge [sflag:s23], $0x7000  }
0x8c: {  	[sflag:s23] =	ssyncset.done $0x0  }
0x8d: {  	[sflag:s23] =	ssyncadd.s32 $0xFFFF9000  }
0x8e: {  	_ =	swait.ge [sflag:s23], $0x7000  }
0x8f: {  	[sflag:s23] =	ssyncset.done $0x0  }
0x90: {  	[sflag:s23] =	ssyncadd.s32 $0xFFFF9000  }
0x91: {  	_ =	swait.ge [sflag:s31], $0x1000  }
0x92: {  	[sflag:s31] =	ssyncset.done $0x0  }
0x93: {  	[sflag:s31] =	ssyncadd.s32 $0xFFFFF000  }
0x94: {  	_ =	swait.ge [sflag:s1], $0x4000  }
0x95: {  	[sflag:s1] =	ssyncset.done $0x0  }
0x96: {  	s12 =	rddreg [dreg:$0x11];
	[sflag:s1] =	ssyncadd.s32 $0xFFFFC000  }
0x97: {  	[hbm4b:s12+s3] =	stream.linear.scatter [tilespmem:s10], [sflag:$0x5], $0x1000, $0x38;
	[tilespmem:$0x17780] =	vst v63  }
0x98: {  	_ =	swait.ge [sflag:s8], $0x1000  }
0x99: {  	p0 =	sne.s32 s7, $0x1;
	[sflag:s8] =	ssyncset.done $0x0  }
.Ltmp0:
0x9a: {  	s13 =	rddreg [dreg:$0x12];
	[sflag:s8] =	ssyncadd.s32 $0xFFFFF000;
	(pc) =	sbr.rel @p0 .LBB2_1-.Ltmp0, $4  }
0x9b: {  	[hbm4b:s13+s3] =	stream.linear.scatter [tilespmem:s11], [sflag:$0x5], $0x4000, $0x38;
	[tilespmem:$0x17780] =	vst v63  }
0x9c: {  	_ =	swait.ge [sflag:s8], $0x4000  }
0x9d: {  	[sflag:s8] =	ssyncset.done $0x0  }
0x9e: {  	s7 =	sadd.s32 $0xFFFFFFFF, s7;
	[sflag:s8] =	ssyncadd.s32 $0xFFFFC000  }
0x9f: {  	_ =	sfence.sel $0x180000  }
0xa0: {  	[bflag:$0x0] =	sbarrier.arrive $0xFFFF  }
0xa1: {  	_ =	strace $0x90000047  }
0xa2: {  	s0 =	stileid.u32;
	[bflag:$0x2] =	sbarrier.arrive $0xFFFF  }
0xa3: {  	p0 =	sne.s32 s0, $0x0;
	s0 =	rddreg [dreg:$0x4]  }
0xa4: {  	s0 =	sadd.s32 @!p0 $0x100000, s0  }
0xa5: {  	[sflag:s0] =	ssyncadd.tile.s32 @!p0 $0x1;
	_ =	shalt  }
.Lfunc_end2:
_tile_overlayer_lowered:
.L_overlay_start_2:
0xa6: {  	(tag) =	ssettag $0x2  }
0xa7: {  	s0 =	rddreg [dreg:$0x0];
	s2 =	stileid.u32  }
0xa8: {  	s1 =	rddreg [dreg:$0x1];
	p0 =	sne.s32 s2, $0x0  }
0xa9: {  	s3 =	rddreg [dreg:$0x2];
	[bflag:$0x3] =	sbarrier.arrive $0xFFFF;
	s2 =	simm.s32 @!p0 $0x1C05  }
0xaa: {  	[timem:s3], [sflag:s2] =	dma.local @!p0 [hbm:s0], s1  }
0xab: {  	s0 =	simm.s32 @!p0 $0x5  }
0xac: {  	_ =	swait.ge @!p0 [sflag:s0], s1  }
0xad: {  	s1 =	ssub.s32 @!p0 $0x0, s1;
	[sflag:s0] =	ssyncset.done @!p0 $0x0  }
0xae: {  	[sflag:s0] =	ssyncadd.s32 @!p0 s1  }
0xaf: {  	[bflag:$0x3] =	sbarrier.arrive $0xFFFF  }
0xb0: {  	_ =	shalt  }

</sc_bundles>
